<compile_context>
chip_gen: v7x
topology: tpu7x:2x2x1
jax: 0.10.2.dev20260603
libtpu: 0.0.44.dev20260713+nightly
codegen_flags: <defaults>
</compile_context>

<pallas_src>
import functools

import jax
import jax.numpy as jnp
from jax import lax
from jax.experimental import pallas as pl
from jax.experimental.pallas import tpu as pltpu
from jax.experimental.pallas import tpu_sc as plsc

DIM = 64
NSPECIAL = 101
LANES = 16


def kernel(input, frozen1, unk, frozen2):
    B, L = input.shape
    N = B * L
    info = plsc.get_sparse_core_info()
    NC, NS = info.num_cores, info.num_subcores
    NW = NC * NS
    n_per_w = N // NW
    SUB = 128
    FIRE = 5
    CHUNK = SUB * FIRE
    n_chunks = n_per_w // CHUNK
    n_groups = n_per_w // LANES
    gpc = CHUNK // LANES

    idx_flat = input.reshape(N)
    mesh = plsc.VectorSubcoreMesh(core_axis_name="c", subcore_axis_name="s")

    @functools.partial(
        pl.kernel,
        mesh=mesh,
        out_type=jax.ShapeDtypeStruct((N, DIM), jnp.float32),
        scratch_types=[
            pltpu.VMEM((n_per_w,), jnp.int32),
            pltpu.VMEM((n_per_w,), jnp.int32),
            pltpu.VMEM((NSPECIAL + 3, DIM), jnp.float32),
            pltpu.VMEM((CHUNK, DIM), jnp.float32),
            pltpu.VMEM((CHUNK, DIM), jnp.float32),
            pltpu.SMEM((n_groups,), jnp.int32),
            pltpu.SemaphoreType.DMA,
            pltpu.SemaphoreType.DMA,
        ],
        compiler_params=pltpu.CompilerParams(
            use_tc_tiling_on_sc=False, needs_layout_passes=False),
    )
    def kern(idx_hbm, f1_hbm, unk_hbm, f2_hbm, out_hbm,
             idx_v, gidx_v, small_v, rows0, rows1, cnt_s, sem_g, sem_o):
        wid = lax.axis_index("s") * NC + lax.axis_index("c")
        base = wid * n_per_w

        pltpu.sync_copy(f1_hbm, small_v.at[pl.ds(0, 100)])
        pltpu.sync_copy(unk_hbm, small_v.at[pl.ds(100, 1)])
        pltpu.sync_copy(idx_hbm.at[pl.ds(base, n_per_w)], idx_v)

        def prep(g, carry):
            v = idx_v[pl.ds(g * LANES, LANES)]
            sp = v < NSPECIAL
            gidx_v[pl.ds(g * LANES, LANES)] = jnp.where(sp, 0, v - NSPECIAL)
            cnt_s[g] = jnp.sum(jnp.where(sp, 1, 0))
            return carry
        lax.fori_loop(0, n_groups, prep, 0)

        rows = (rows0, rows1)

        def chunk_body(st, carry):
            for rb in range(2):
                c = st * 2 + rb
                off = c * CHUNK

                @pl.when(c >= 2)
                def _():
                    pltpu.make_async_copy(
                        rows[rb], out_hbm.at[pl.ds(base, CHUNK)], sem_o).wait()
                handles = []
                for s in range(FIRE):
                    handles.append(pltpu.async_copy(
                        f2_hbm.at[gidx_v.at[pl.ds(off + s * SUB, SUB)]],
                        rows[rb].at[pl.ds(s * SUB, SUB)],
                        sem_g))
                for h in handles:
                    h.wait()

                def fix_group(g, gcarry, _rows=rows[rb], _c=c):
                    gg = _c * gpc + g

                    @pl.when(cnt_s[gg] > 0)
                    def _():
                        v = idx_v[pl.ds(gg * LANES, LANES)]
                        m = v < NSPECIAL
                        sidx = jnp.where(m, v, 0)
                        rowpos = g * LANES + lax.iota(jnp.int32, LANES)

                        def fix_col(col, ccarry):
                            cvec = jnp.full((LANES,), col, jnp.int32)
                            vals = plsc.load_gather(small_v, [sidx, cvec], mask=m)
                            plsc.store_scatter(_rows, [rowpos, cvec], vals, mask=m)
                            return ccarry
                        lax.fori_loop(0, DIM, fix_col, 0)
                    return gcarry
                lax.fori_loop(0, gpc, fix_group, 0)

                pltpu.async_copy(rows[rb], out_hbm.at[pl.ds(base + off, CHUNK)],
                                 sem_o)
            return carry
        lax.fori_loop(0, n_chunks // 2, chunk_body, 0)
        for _ in range(2):
            pltpu.make_async_copy(
                rows[0], out_hbm.at[pl.ds(base, CHUNK)], sem_o).wait()

    out = kern(idx_flat, frozen1, unk, frozen2)
    return out.reshape(B, L, DIM)

# --- scband reference (transcript-rebuilt; emitter-appended) ---
"""Pipeline reference for scband-frozen-embedding-minus-unk-87368224735260 (READ-ONLY COPY).

The authoritative reference and input builder live on the scoring server;
editing this copy changes nothing except your own understanding.
"""

import jax, jax.numpy as jnp
import numpy as np

VOCAB = 1000000
DIM = 64
B = 4096
L = 50
UNK = 100

def setup_inputs(seed: int = 0) -> dict:
    key = jax.random.key(seed)
    kw, ki = jax.random.split(key)
    # full embedding table, then split exactly as the torch module does in __init__
    W = jax.random.normal(kw, (VOCAB, DIM), dtype=jnp.float32) * 0.02
    frozen1 = W[:UNK]            # weight[:unk_token_id]
    unk = W[UNK:UNK + 1]         # weight[[unk_token_id]]
    frozen2 = W[UNK + 1:]        # weight[unk_token_id+1:]
    inp = jax.random.randint(ki, (B, L), 0, VOCAB, dtype=jnp.int32)
    return {"input": inp, "frozen1": frozen1, "unk": unk, "frozen2": frozen2}

def reference(input, frozen1, unk, frozen2):
    # F.embedding(input, torch.cat((frozen1, unk, frozen2)))
    table = jnp.concatenate((frozen1, unk, frozen2), axis=0)
    return jnp.take(table, input, axis=0)

if __name__ == "__main__":
    import jax
    _d = setup_inputs()
    print(jax.jit(kernel)(*tuple(_d.values())))

</pallas_src>

<mosaic_0001>
#map = affine_map<(d0, d1) -> (0)>
#map1 = affine_map<(d0, d1) -> (0, 0)>
module attributes {stable_mosaic.version = 14 : i64} {
  func.func @kern(%arg0: i32, %arg1: i32, %arg2: memref<204800xi32, #tpu.memory_space<hbm>>, %arg3: memref<100x64xf32, #tpu.memory_space<hbm>>, %arg4: memref<1x64xf32, #tpu.memory_space<hbm>>, %arg5: memref<999899x64xf32, #tpu.memory_space<hbm>>, %arg6: memref<204800x64xf32, #tpu.memory_space<hbm>>, %arg7: memref<6400xi32, #tpu.memory_space<vmem>>, %arg8: memref<6400xi32, #tpu.memory_space<vmem>>, %arg9: memref<104x64xf32, #tpu.memory_space<vmem>>, %arg10: memref<640x64xf32, #tpu.memory_space<vmem>>, %arg11: memref<640x64xf32, #tpu.memory_space<vmem>>, %arg12: memref<400xi32, #tpu.memory_space<smem>>, %arg13: memref<!tpu.dma_semaphore, #tpu.memory_space<semaphore_mem>>, %arg14: memref<!tpu.dma_semaphore, #tpu.memory_space<semaphore_mem>>) attributes {dimension_semantics = [#tpu.dimension_semantics<core_parallel>, #tpu.dimension_semantics<subcore_parallel>], iteration_bounds = array<i64: 2, 16>, scalar_prefetch = 0 : i64, scratch_operands = 8 : i64, tpu.core_type = #tpu.core_type<sc_vector_subcore>, window_params = [{transform_indices = #map}, {transform_indices = #map1}, {transform_indices = #map1}, {transform_indices = #map1}, {transform_indices = #map1}]} {
    %mul3A = arith.constant 2 : i32
    %mul3A_0 = arith.muli %arg1, %mul3A : i32
    %add3A = arith.addi %mul3A_0, %arg0 : i32
    %mul3A_1 = arith.constant 6400 : i32
    %mul3A_2 = arith.muli %add3A, %mul3A_1 : i32
    "tpu.region"() ({
      %run_scoped3A = tpu.sem_alloc : memref<!tpu.dma_semaphore, #tpu.memory_space<semaphore_mem>>
      %dma_start3A = arith.constant 0 : i32
      %dma_start3A_21 = arith.constant 0 : i32
      %dma_start3A_22 = tpu.memref_slice %arg9[%dma_start3A, %dma_start3A_21] : memref<104x64xf32, #tpu.memory_space<vmem>> -> memref<100x64xf32, #tpu.memory_space<vmem>>
      %dma_start3A_23 = arith.constant 0 : i32
      %dma_start3A_24 = arith.constant 0 : i32
      %dma_start3A_25 = tpu.memref_slice %arg9[%dma_start3A_23, %dma_start3A_24] : memref<104x64xf32, #tpu.memory_space<vmem>> -> memref<100x64xf32, #tpu.memory_space<vmem>>
      tpu.enqueue_dma source(%arg3 : memref<100x64xf32, #tpu.memory_space<hbm>>) target(%dma_start3A_25 : memref<100x64xf32, #tpu.memory_space<vmem>>) target_semaphore(%run_scoped3A : memref<!tpu.dma_semaphore, #tpu.memory_space<semaphore_mem>>)
      %dma_wait3A_26 = arith.constant 0 : i32
      %dma_wait3A_27 = arith.constant 0 : i32
      %dma_wait3A_28 = tpu.memref_slice %arg9[%dma_wait3A_26, %dma_wait3A_27] : memref<104x64xf32, #tpu.memory_space<vmem>> -> memref<100x64xf32, #tpu.memory_space<vmem>>
      %dma_wait3A_29 = arith.constant 0 : i32
      %dma_wait3A_30 = arith.constant 0 : i32
      %dma_wait3A_31 = tpu.memref_slice %arg9[%dma_wait3A_29, %dma_wait3A_30] : memref<104x64xf32, #tpu.memory_space<vmem>> -> memref<100x64xf32, #tpu.memory_space<vmem>>
      tpu.wait_dma2 semaphore(%run_scoped3A : memref<!tpu.dma_semaphore, #tpu.memory_space<semaphore_mem>>) src(%arg3 : memref<100x64xf32, #tpu.memory_space<hbm>>) dst(%dma_wait3A_31 : memref<100x64xf32, #tpu.memory_space<vmem>>)
      tpu.yield
    }) : () -> ()
    "tpu.region"() ({
      %run_scoped3A = tpu.sem_alloc : memref<!tpu.dma_semaphore, #tpu.memory_space<semaphore_mem>>
      %dma_start3A = arith.constant 100 : i32
      %dma_start3A_21 = arith.constant 0 : i32
      %dma_start3A_22 = tpu.memref_slice %arg9[%dma_start3A, %dma_start3A_21] : memref<104x64xf32, #tpu.memory_space<vmem>> -> memref<1x64xf32, #tpu.memory_space<vmem>>
      %dma_start3A_23 = arith.constant 100 : i32
      %dma_start3A_24 = arith.constant 0 : i32
      %dma_start3A_25 = tpu.memref_slice %arg9[%dma_start3A_23, %dma_start3A_24] : memref<104x64xf32, #tpu.memory_space<vmem>> -> memref<1x64xf32, #tpu.memory_space<vmem>>
      tpu.enqueue_dma source(%arg4 : memref<1x64xf32, #tpu.memory_space<hbm>>) target(%dma_start3A_25 : memref<1x64xf32, #tpu.memory_space<vmem>>) target_semaphore(%run_scoped3A : memref<!tpu.dma_semaphore, #tpu.memory_space<semaphore_mem>>)
      %dma_wait3A_26 = arith.constant 100 : i32
      %dma_wait3A_27 = arith.constant 0 : i32
      %dma_wait3A_28 = tpu.memref_slice %arg9[%dma_wait3A_26, %dma_wait3A_27] : memref<104x64xf32, #tpu.memory_space<vmem>> -> memref<1x64xf32, #tpu.memory_space<vmem>>
      %dma_wait3A_29 = arith.constant 100 : i32
      %dma_wait3A_30 = arith.constant 0 : i32
      %dma_wait3A_31 = tpu.memref_slice %arg9[%dma_wait3A_29, %dma_wait3A_30] : memref<104x64xf32, #tpu.memory_space<vmem>> -> memref<1x64xf32, #tpu.memory_space<vmem>>
      tpu.wait_dma2 semaphore(%run_scoped3A : memref<!tpu.dma_semaphore, #tpu.memory_space<semaphore_mem>>) src(%arg4 : memref<1x64xf32, #tpu.memory_space<hbm>>) dst(%dma_wait3A_31 : memref<1x64xf32, #tpu.memory_space<vmem>>)
      tpu.yield
    }) : () -> ()
    "tpu.region"() ({
      %run_scoped3A = tpu.sem_alloc : memref<!tpu.dma_semaphore, #tpu.memory_space<semaphore_mem>>
      %dma_start3A = tpu.memref_slice %arg2[%mul3A_2] : memref<204800xi32, #tpu.memory_space<hbm>> -> memref<6400xi32, #tpu.memory_space<hbm>>
      %dma_start3A_21 = tpu.memref_slice %arg2[%mul3A_2] : memref<204800xi32, #tpu.memory_space<hbm>> -> memref<6400xi32, #tpu.memory_space<hbm>>
      tpu.enqueue_dma source(%dma_start3A_21 : memref<6400xi32, #tpu.memory_space<hbm>>) target(%arg7 : memref<6400xi32, #tpu.memory_space<vmem>>) target_semaphore(%run_scoped3A : memref<!tpu.dma_semaphore, #tpu.memory_space<semaphore_mem>>)
      %dma_wait3A_22 = tpu.memref_slice %arg2[%mul3A_2] : memref<204800xi32, #tpu.memory_space<hbm>> -> memref<6400xi32, #tpu.memory_space<hbm>>
      %dma_wait3A_23 = tpu.memref_slice %arg2[%mul3A_2] : memref<204800xi32, #tpu.memory_space<hbm>> -> memref<6400xi32, #tpu.memory_space<hbm>>
      tpu.wait_dma2 semaphore(%run_scoped3A : memref<!tpu.dma_semaphore, #tpu.memory_space<semaphore_mem>>) src(%dma_wait3A_23 : memref<6400xi32, #tpu.memory_space<hbm>>) dst(%arg7 : memref<6400xi32, #tpu.memory_space<vmem>>)
      tpu.yield
    }) : () -> ()
    %scan3A = arith.constant 0 : i32
    %scan3A_3 = arith.constant 0 : i32
    %scan3A_4 = arith.constant 400 : i32
    %scan3A_5 = arith.addi %scan3A_3, %scan3A_4 : i32
    %scan3A_6 = arith.constant 1 : i32
    scf.for %scan3A_21 = %scan3A_3 to %scan3A_5 step %scan3A_6  : i32 {
      %mul3A_22 = arith.constant 16 : i32
      %mul3A_23 = arith.muli %scan3A_21, %mul3A_22 : i32
      %get3A = arith.index_cast %mul3A_23 : i32 to index
      %get3A_24 = tpu.vector_load %arg7[%get3A] {strides = array<i32>} : memref<6400xi32, #tpu.memory_space<vmem>>, vector<16xi32>,
      %lt3A = arith.constant 101 : i32
      %lt3A_25 = vector.broadcast %lt3A : i32 to vector<16xi32>
      %lt3A_26 = arith.cmpi slt, %get3A_24, %lt3A_25 : vector<16xi32>
      %sub3A = arith.constant 101 : i32
      %sub3A_27 = vector.broadcast %sub3A : i32 to vector<16xi32>
      %sub3A_28 = arith.subi %get3A_24, %sub3A_27 : vector<16xi32>
      %jit3A = arith.constant 0 : i32
      %broadcast_in_dim3A = vector.broadcast %jit3A : i32 to vector<16xi32>
      %select_n3A = arith.select %lt3A_26, %broadcast_in_dim3A, %sub3A_28 : vector<16xi1>, vector<16xi32>
      %mul3A_29 = arith.constant 16 : i32
      %mul3A_30 = arith.muli %scan3A_21, %mul3A_29 : i32
      %swap3A = arith.index_cast %mul3A_30 : i32 to index
      %swap3A_31 = tpu.vector_load %arg8[%swap3A] {strides = array<i32>} : memref<6400xi32, #tpu.memory_space<vmem>>, vector<16xi32>,
      tpu.vector_store %arg8[%swap3A], %select_n3A {strides = array<i32>} : memref<6400xi32, #tpu.memory_space<vmem>>, vector<16xi32>,
      %jit3A_32 = arith.constant 1 : i32
      %jit3A_33 = arith.constant 0 : i32
      %broadcast_in_dim3A_34 = vector.broadcast %jit3A_32 : i32 to vector<16xi32>
      %broadcast_in_dim3A_35 = vector.broadcast %jit3A_33 : i32 to vector<16xi32>
      %select_n3A_36 = arith.select %lt3A_26, %broadcast_in_dim3A_34, %broadcast_in_dim3A_35 : vector<16xi1>, vector<16xi32>
      %reduce_sum3A = arith.constant true
      %reduce_sum3A_37 = vector.broadcast %reduce_sum3A : i1 to vector<16xi1>
      %reduce_sum3A_38 = tpu.scan <sum>, %select_n3A_36 masked %reduce_sum3A_37 : vector<16xi32>, vector<16xi1> -> vector<16xi32>
      %reduce_sum3A_39 = vector.extract %reduce_sum3A_38[15] : i32 from vector<16xi32>
      %swap3A_40 = arith.index_cast %scan3A_21 : i32 to index
      %swap3A_41 = memref.load %arg12[%swap3A_40] : memref<400xi32, #tpu.memory_space<smem>>
      memref.store %reduce_sum3A_39, %arg12[%swap3A_40] : memref<400xi32, #tpu.memory_space<smem>>
    }
    %scan3A_7 = arith.constant 400 : i32
    %scan3A_8 = arith.constant 0 : i32
    %scan3A_9 = arith.constant 0 : i32
    %scan3A_10 = arith.constant 5 : i32
    %scan3A_11 = arith.addi %scan3A_9, %scan3A_10 : i32
    %scan3A_12 = arith.constant 1 : i32
    scf.for %scan3A_21 = %scan3A_9 to %scan3A_11 step %scan3A_12  : i32 {
      %mul3A_22 = arith.constant 2 : i32
      %mul3A_23 = arith.muli %scan3A_21, %mul3A_22 : i32
      %add3A_24 = arith.constant 0 : i32
      %add3A_25 = arith.addi %mul3A_23, %add3A_24 : i32
      %mul3A_26 = arith.constant 640 : i32
      %mul3A_27 = arith.muli %add3A_25, %mul3A_26 : i32
      %ge3A = arith.constant 2 : i32
      %ge3A_28 = arith.cmpi sge, %add3A_25, %ge3A : i32
      %convert_element_type3A = arith.extui %ge3A_28 : i1 to i32
      %cond3A = arith.constant 0 : i32
      %cond3A_29 = arith.cmpi ne, %convert_element_type3A, %cond3A : i32
      scf.if %cond3A_29 {
        %dma_wait3A_222 = arith.constant 0 : i32
        %dma_wait3A_223 = tpu.memref_slice %arg6[%mul3A_2, %dma_wait3A_222] : memref<204800x64xf32, #tpu.memory_space<hbm>> -> memref<640x64xf32, #tpu.memory_space<hbm>>
        %dma_wait3A_224 = arith.constant 0 : i32
        %dma_wait3A_225 = tpu.memref_slice %arg6[%mul3A_2, %dma_wait3A_224] : memref<204800x64xf32, #tpu.memory_space<hbm>> -> memref<640x64xf32, #tpu.memory_space<hbm>>
        tpu.wait_dma2 semaphore(%arg14 : memref<!tpu.dma_semaphore, #tpu.memory_space<semaphore_mem>>) src(%arg10 : memref<640x64xf32, #tpu.memory_space<vmem>>) dst(%dma_wait3A_225 : memref<640x64xf32, #tpu.memory_space<hbm>>)
      } else {
      }
      %add3A_30 = arith.constant 0 : i32
      %add3A_31 = arith.addi %mul3A_27, %add3A_30 : i32
      %dma_start3A = arith.constant 0 : i32
      %dma_start3A_32 = arith.constant 0 : i32
      %dma_start3A_33 = tpu.memref_slice %arg10[%dma_start3A, %dma_start3A_32] : memref<640x64xf32, #tpu.memory_space<vmem>> -> memref<128x64xf32, #tpu.memory_space<vmem>>
      %dma_start3A_34 = tpu.memref_slice %arg8[%add3A_31] : memref<6400xi32, #tpu.memory_space<vmem>> -> memref<128xi32, #tpu.memory_space<vmem>>
      %dma_start3A_35 = arith.constant 0 : i32
      %dma_start3A_36 = arith.constant 0 : i32
      %dma_start3A_37 = tpu.memref_slice %arg5[%dma_start3A_35, %dma_start3A_36] : memref<999899x64xf32, #tpu.memory_space<hbm>> -> memref<999899x64xf32, #tpu.memory_space<hbm>>
      tpu.enqueue_indirect_dma source(%dma_start3A_37 : memref<999899x64xf32, #tpu.memory_space<hbm>>) target(%dma_start3A_33 : memref<128x64xf32, #tpu.memory_space<vmem>>) offsets(%dma_start3A_34 : memref<128xi32, #tpu.memory_space<vmem>>) semaphore(%arg13 : memref<!tpu.dma_semaphore, #tpu.memory_space<semaphore_mem>>)
      %add3A_38 = arith.constant 128 : i32
      %add3A_39 = arith.addi %mul3A_27, %add3A_38 : i32
      %dma_start3A_40 = arith.constant 128 : i32
      %dma_start3A_41 = arith.constant 0 : i32
      %dma_start3A_42 = tpu.memref_slice %arg10[%dma_start3A_40, %dma_start3A_41] : memref<640x64xf32, #tpu.memory_space<vmem>> -> memref<128x64xf32, #tpu.memory_space<vmem>>
      %dma_start3A_43 = tpu.memref_slice %arg8[%add3A_39] : memref<6400xi32, #tpu.memory_space<vmem>> -> memref<128xi32, #tpu.memory_space<vmem>>
      %dma_start3A_44 = arith.constant 0 : i32
      %dma_start3A_45 = arith.constant 0 : i32
      %dma_start3A_46 = tpu.memref_slice %arg5[%dma_start3A_44, %dma_start3A_45] : memref<999899x64xf32, #tpu.memory_space<hbm>> -> memref<999899x64xf32, #tpu.memory_space<hbm>>
      tpu.enqueue_indirect_dma source(%dma_start3A_46 : memref<999899x64xf32, #tpu.memory_space<hbm>>) target(%dma_start3A_42 : memref<128x64xf32, #tpu.memory_space<vmem>>) offsets(%dma_start3A_43 : memref<128xi32, #tpu.memory_space<vmem>>) semaphore(%arg13 : memref<!tpu.dma_semaphore, #tpu.memory_space<semaphore_mem>>)
      %add3A_47 = arith.constant 256 : i32
      %add3A_48 = arith.addi %mul3A_27, %add3A_47 : i32
      %dma_start3A_49 = arith.constant 256 : i32
      %dma_start3A_50 = arith.constant 0 : i32
      %dma_start3A_51 = tpu.memref_slice %arg10[%dma_start3A_49, %dma_start3A_50] : memref<640x64xf32, #tpu.memory_space<vmem>> -> memref<128x64xf32, #tpu.memory_space<vmem>>
      %dma_start3A_52 = tpu.memref_slice %arg8[%add3A_48] : memref<6400xi32, #tpu.memory_space<vmem>> -> memref<128xi32, #tpu.memory_space<vmem>>
      %dma_start3A_53 = arith.constant 0 : i32
      %dma_start3A_54 = arith.constant 0 : i32
      %dma_start3A_55 = tpu.memref_slice %arg5[%dma_start3A_53, %dma_start3A_54] : memref<999899x64xf32, #tpu.memory_space<hbm>> -> memref<999899x64xf32, #tpu.memory_space<hbm>>
      tpu.enqueue_indirect_dma source(%dma_start3A_55 : memref<999899x64xf32, #tpu.memory_space<hbm>>) target(%dma_start3A_51 : memref<128x64xf32, #tpu.memory_space<vmem>>) offsets(%dma_start3A_52 : memref<128xi32, #tpu.memory_space<vmem>>) semaphore(%arg13 : memref<!tpu.dma_semaphore, #tpu.memory_space<semaphore_mem>>)
      %add3A_56 = arith.constant 384 : i32
      %add3A_57 = arith.addi %mul3A_27, %add3A_56 : i32
      %dma_start3A_58 = arith.constant 384 : i32
      %dma_start3A_59 = arith.constant 0 : i32
      %dma_start3A_60 = tpu.memref_slice %arg10[%dma_start3A_58, %dma_start3A_59] : memref<640x64xf32, #tpu.memory_space<vmem>> -> memref<128x64xf32, #tpu.memory_space<vmem>>
      %dma_start3A_61 = tpu.memref_slice %arg8[%add3A_57] : memref<6400xi32, #tpu.memory_space<vmem>> -> memref<128xi32, #tpu.memory_space<vmem>>
      %dma_start3A_62 = arith.constant 0 : i32
      %dma_start3A_63 = arith.constant 0 : i32
      %dma_start3A_64 = tpu.memref_slice %arg5[%dma_start3A_62, %dma_start3A_63] : memref<999899x64xf32, #tpu.memory_space<hbm>> -> memref<999899x64xf32, #tpu.memory_space<hbm>>
      tpu.enqueue_indirect_dma source(%dma_start3A_64 : memref<999899x64xf32, #tpu.memory_space<hbm>>) target(%dma_start3A_60 : memref<128x64xf32, #tpu.memory_space<vmem>>) offsets(%dma_start3A_61 : memref<128xi32, #tpu.memory_space<vmem>>) semaphore(%arg13 : memref<!tpu.dma_semaphore, #tpu.memory_space<semaphore_mem>>)
      %add3A_65 = arith.constant 512 : i32
      %add3A_66 = arith.addi %mul3A_27, %add3A_65 : i32
      %dma_start3A_67 = arith.constant 512 : i32
      %dma_start3A_68 = arith.constant 0 : i32
      %dma_start3A_69 = tpu.memref_slice %arg10[%dma_start3A_67, %dma_start3A_68] : memref<640x64xf32, #tpu.memory_space<vmem>> -> memref<128x64xf32, #tpu.memory_space<vmem>>
      %dma_start3A_70 = tpu.memref_slice %arg8[%add3A_66] : memref<6400xi32, #tpu.memory_space<vmem>> -> memref<128xi32, #tpu.memory_space<vmem>>
      %dma_start3A_71 = arith.constant 0 : i32
      %dma_start3A_72 = arith.constant 0 : i32
      %dma_start3A_73 = tpu.memref_slice %arg5[%dma_start3A_71, %dma_start3A_72] : memref<999899x64xf32, #tpu.memory_space<hbm>> -> memref<999899x64xf32, #tpu.memory_space<hbm>>
      tpu.enqueue_indirect_dma source(%dma_start3A_73 : memref<999899x64xf32, #tpu.memory_space<hbm>>) target(%dma_start3A_69 : memref<128x64xf32, #tpu.memory_space<vmem>>) offsets(%dma_start3A_70 : memref<128xi32, #tpu.memory_space<vmem>>) semaphore(%arg13 : memref<!tpu.dma_semaphore, #tpu.memory_space<semaphore_mem>>)
      %dma_wait3A_74 = arith.constant 0 : i32
      %dma_wait3A_75 = arith.constant 0 : i32
      %dma_wait3A_76 = tpu.memref_slice %arg10[%dma_wait3A_74, %dma_wait3A_75] : memref<640x64xf32, #tpu.memory_space<vmem>> -> memref<128x64xf32, #tpu.memory_space<vmem>>
      %dma_wait3A_77 = tpu.memref_slice %arg8[%add3A_31] : memref<6400xi32, #tpu.memory_space<vmem>> -> memref<128xi32, #tpu.memory_space<vmem>>
      %dma_wait3A_78 = arith.constant 0 : i32
      %dma_wait3A_79 = arith.constant 0 : i32
      %dma_wait3A_80 = tpu.memref_slice %arg5[%dma_wait3A_78, %dma_wait3A_79] : memref<999899x64xf32, #tpu.memory_space<hbm>> -> memref<999899x64xf32, #tpu.memory_space<hbm>>
      tpu.wait_indirect_dma semaphore(%arg13 : memref<!tpu.dma_semaphore, #tpu.memory_space<semaphore_mem>>) src(%dma_wait3A_80 : memref<999899x64xf32, #tpu.memory_space<hbm>>) dst(%dma_wait3A_76 : memref<128x64xf32, #tpu.memory_space<vmem>>)
      %dma_wait3A_81 = arith.constant 128 : i32
      %dma_wait3A_82 = arith.constant 0 : i32
      %dma_wait3A_83 = tpu.memref_slice %arg10[%dma_wait3A_81, %dma_wait3A_82] : memref<640x64xf32, #tpu.memory_space<vmem>> -> memref<128x64xf32, #tpu.memory_space<vmem>>
      %dma_wait3A_84 = tpu.memref_slice %arg8[%add3A_39] : memref<6400xi32, #tpu.memory_space<vmem>> -> memref<128xi32, #tpu.memory_space<vmem>>
      %dma_wait3A_85 = arith.constant 0 : i32
      %dma_wait3A_86 = arith.constant 0 : i32
      %dma_wait3A_87 = tpu.memref_slice %arg5[%dma_wait3A_85, %dma_wait3A_86] : memref<999899x64xf32, #tpu.memory_space<hbm>> -> memref<999899x64xf32, #tpu.memory_space<hbm>>
      tpu.wait_indirect_dma semaphore(%arg13 : memref<!tpu.dma_semaphore, #tpu.memory_space<semaphore_mem>>) src(%dma_wait3A_87 : memref<999899x64xf32, #tpu.memory_space<hbm>>) dst(%dma_wait3A_83 : memref<128x64xf32, #tpu.memory_space<vmem>>)
      %dma_wait3A_88 = arith.constant 256 : i32
      %dma_wait3A_89 = arith.constant 0 : i32
      %dma_wait3A_90 = tpu.memref_slice %arg10[%dma_wait3A_88, %dma_wait3A_89] : memref<640x64xf32, #tpu.memory_space<vmem>> -> memref<128x64xf32, #tpu.memory_space<vmem>>
      %dma_wait3A_91 = tpu.memref_slice %arg8[%add3A_48] : memref<6400xi32, #tpu.memory_space<vmem>> -> memref<128xi32, #tpu.memory_space<vmem>>
      %dma_wait3A_92 = arith.constant 0 : i32
      %dma_wait3A_93 = arith.constant 0 : i32
      %dma_wait3A_94 = tpu.memref_slice %arg5[%dma_wait3A_92, %dma_wait3A_93] : memref<999899x64xf32, #tpu.memory_space<hbm>> -> memref<999899x64xf32, #tpu.memory_space<hbm>>
      tpu.wait_indirect_dma semaphore(%arg13 : memref<!tpu.dma_semaphore, #tpu.memory_space<semaphore_mem>>) src(%dma_wait3A_94 : memref<999899x64xf32, #tpu.memory_space<hbm>>) dst(%dma_wait3A_90 : memref<128x64xf32, #tpu.memory_space<vmem>>)
      %dma_wait3A_95 = arith.constant 384 : i32
      %dma_wait3A_96 = arith.constant 0 : i32
      %dma_wait3A_97 = tpu.memref_slice %arg10[%dma_wait3A_95, %dma_wait3A_96] : memref<640x64xf32, #tpu.memory_space<vmem>> -> memref<128x64xf32, #tpu.memory_space<vmem>>
      %dma_wait3A_98 = tpu.memref_slice %arg8[%add3A_57] : memref<6400xi32, #tpu.memory_space<vmem>> -> memref<128xi32, #tpu.memory_space<vmem>>
      %dma_wait3A_99 = arith.constant 0 : i32
      %dma_wait3A_100 = arith.constant 0 : i32
      %dma_wait3A_101 = tpu.memref_slice %arg5[%dma_wait3A_99, %dma_wait3A_100] : memref<999899x64xf32, #tpu.memory_space<hbm>> -> memref<999899x64xf32, #tpu.memory_space<hbm>>
      tpu.wait_indirect_dma semaphore(%arg13 : memref<!tpu.dma_semaphore, #tpu.memory_space<semaphore_mem>>) src(%dma_wait3A_101 : memref<999899x64xf32, #tpu.memory_space<hbm>>) dst(%dma_wait3A_97 : memref<128x64xf32, #tpu.memory_space<vmem>>)
      %dma_wait3A_102 = arith.constant 512 : i32
      %dma_wait3A_103 = arith.constant 0 : i32
      %dma_wait3A_104 = tpu.memref_slice %arg10[%dma_wait3A_102, %dma_wait3A_103] : memref<640x64xf32, #tpu.memory_space<vmem>> -> memref<128x64xf32, #tpu.memory_space<vmem>>
      %dma_wait3A_105 = tpu.memref_slice %arg8[%add3A_66] : memref<6400xi32, #tpu.memory_space<vmem>> -> memref<128xi32, #tpu.memory_space<vmem>>
      %dma_wait3A_106 = arith.constant 0 : i32
      %dma_wait3A_107 = arith.constant 0 : i32
      %dma_wait3A_108 = tpu.memref_slice %arg5[%dma_wait3A_106, %dma_wait3A_107] : memref<999899x64xf32, #tpu.memory_space<hbm>> -> memref<999899x64xf32, #tpu.memory_space<hbm>>
      tpu.wait_indirect_dma semaphore(%arg13 : memref<!tpu.dma_semaphore, #tpu.memory_space<semaphore_mem>>) src(%dma_wait3A_108 : memref<999899x64xf32, #tpu.memory_space<hbm>>) dst(%dma_wait3A_104 : memref<128x64xf32, #tpu.memory_space<vmem>>)
      %scan3A_109 = arith.constant 0 : i32
      %scan3A_110 = arith.constant 0 : i32
      %scan3A_111 = arith.constant 40 : i32
      %scan3A_112 = arith.addi %scan3A_110, %scan3A_111 : i32
      %scan3A_113 = arith.constant 1 : i32
      scf.for %scan3A_222 = %scan3A_110 to %scan3A_112 step %scan3A_113  : i32 {
        %mul3A_223 = arith.constant 40 : i32
        %mul3A_224 = arith.muli %add3A_25, %mul3A_223 : i32
        %add3A_225 = arith.addi %mul3A_224, %scan3A_222 : i32
        %get3A = arith.index_cast %add3A_225 : i32 to index
        %get3A_226 = memref.load %arg12[%get3A] : memref<400xi32, #tpu.memory_space<smem>>
        %gt3A = arith.constant 0 : i32
        %gt3A_227 = arith.cmpi sgt, %get3A_226, %gt3A : i32
        %convert_element_type3A_228 = arith.extui %gt3A_227 : i1 to i32
        %cond3A_229 = arith.constant 0 : i32
        %cond3A_230 = arith.cmpi ne, %convert_element_type3A_228, %cond3A_229 : i32
        scf.if %cond3A_230 {
          %mul3A_231 = arith.constant 16 : i32
          %mul3A_232 = arith.muli %add3A_225, %mul3A_231 : i32
          %get3A_233 = arith.index_cast %mul3A_232 : i32 to index
          %get3A_234 = tpu.vector_load %arg7[%get3A_233] {strides = array<i32>} : memref<6400xi32, #tpu.memory_space<vmem>>, vector<16xi32>,
          %lt3A = arith.constant 101 : i32
          %lt3A_235 = vector.broadcast %lt3A : i32 to vector<16xi32>
          %lt3A_236 = arith.cmpi slt, %get3A_234, %lt3A_235 : vector<16xi32>
          %jit3A = arith.constant 0 : i32
          %broadcast_in_dim3A = vector.broadcast %jit3A : i32 to vector<16xi32>
          %select_n3A = arith.select %lt3A_236, %get3A_234, %broadcast_in_dim3A : vector<16xi1>, vector<16xi32>
          %mul3A_237 = arith.constant 16 : i32
          %mul3A_238 = arith.muli %scan3A_222, %mul3A_237 : i32
          %iota3A = tpu.iota {dimensions = array<i32: 0>} : vector<16xi32>
          %add3A_239 = vector.broadcast %mul3A_238 : i32 to vector<16xi32>
          %add3A_240 = arith.addi %add3A_239, %iota3A : vector<16xi32>
          %scan3A_241 = arith.constant 0 : i32
          %scan3A_242 = arith.constant 0 : i32
          %scan3A_243 = arith.constant 64 : i32
          %scan3A_244 = arith.addi %scan3A_242, %scan3A_243 : i32
          %scan3A_245 = arith.constant 1 : i32
          scf.for %scan3A_247 = %scan3A_242 to %scan3A_244 step %scan3A_245  : i32 {
            %broadcast_in_dim3A_248 = vector.broadcast %scan3A_247 : i32 to vector<16xi32>
            %gather3A = tpu.vector_load_idx %arg9[%select_n3A, %broadcast_in_dim3A_248] masked %lt3A_236 : memref<104x64xf32, #tpu.memory_space<vmem>>[vector<16xi32>, vector<16xi32>], vector<16xf32>, vector<16xi1>
            tpu.vector_store_idx %arg10[%add3A_240, %broadcast_in_dim3A_248], %gather3A masked %lt3A_236 : memref<640x64xf32, #tpu.memory_space<vmem>>[vector<16xi32>, vector<16xi32>], vector<16xf32>, vector<16xi1>
          }
          %scan3A_246 = arith.constant 64 : i32
        } else {
        }
      }
      %scan3A_114 = arith.constant 40 : i32
      %add3A_115 = arith.addi %mul3A_2, %mul3A_27 : i32
      %dma_start3A_116 = arith.constant 0 : i32
      %dma_start3A_117 = tpu.memref_slice %arg6[%add3A_115, %dma_start3A_116] : memref<204800x64xf32, #tpu.memory_space<hbm>> -> memref<640x64xf32, #tpu.memory_space<hbm>>
      %dma_start3A_118 = arith.constant 0 : i32
      %dma_start3A_119 = tpu.memref_slice %arg6[%add3A_115, %dma_start3A_118] : memref<204800x64xf32, #tpu.memory_space<hbm>> -> memref<640x64xf32, #tpu.memory_space<hbm>>
      tpu.enqueue_dma source(%arg10 : memref<640x64xf32, #tpu.memory_space<vmem>>) target(%dma_start3A_119 : memref<640x64xf32, #tpu.memory_space<hbm>>) target_semaphore(%arg14 : memref<!tpu.dma_semaphore, #tpu.memory_space<semaphore_mem>>)
      %mul3A_120 = arith.constant 2 : i32
      %mul3A_121 = arith.muli %scan3A_21, %mul3A_120 : i32
      %add3A_122 = arith.constant 1 : i32
      %add3A_123 = arith.addi %mul3A_121, %add3A_122 : i32
      %mul3A_124 = arith.constant 640 : i32
      %mul3A_125 = arith.muli %add3A_123, %mul3A_124 : i32
      %ge3A_126 = arith.constant 2 : i32
      %ge3A_127 = arith.cmpi sge, %add3A_123, %ge3A_126 : i32
      %convert_element_type3A_128 = arith.extui %ge3A_127 : i1 to i32
      %cond3A_129 = arith.constant 0 : i32
      %cond3A_130 = arith.cmpi ne, %convert_element_type3A_128, %cond3A_129 : i32
      scf.if %cond3A_130 {
        %dma_wait3A_222 = arith.constant 0 : i32
        %dma_wait3A_223 = tpu.memref_slice %arg6[%mul3A_2, %dma_wait3A_222] : memref<204800x64xf32, #tpu.memory_space<hbm>> -> memref<640x64xf32, #tpu.memory_space<hbm>>
        %dma_wait3A_224 = arith.constant 0 : i32
        %dma_wait3A_225 = tpu.memref_slice %arg6[%mul3A_2, %dma_wait3A_224] : memref<204800x64xf32, #tpu.memory_space<hbm>> -> memref<640x64xf32, #tpu.memory_space<hbm>>
        tpu.wait_dma2 semaphore(%arg14 : memref<!tpu.dma_semaphore, #tpu.memory_space<semaphore_mem>>) src(%arg11 : memref<640x64xf32, #tpu.memory_space<vmem>>) dst(%dma_wait3A_225 : memref<640x64xf32, #tpu.memory_space<hbm>>)
      } else {
      }
      %add3A_131 = arith.constant 0 : i32
      %add3A_132 = arith.addi %mul3A_125, %add3A_131 : i32
      %dma_start3A_133 = arith.constant 0 : i32
      %dma_start3A_134 = arith.constant 0 : i32
      %dma_start3A_135 = tpu.memref_slice %arg11[%dma_start3A_133, %dma_start3A_134] : memref<640x64xf32, #tpu.memory_space<vmem>> -> memref<128x64xf32, #tpu.memory_space<vmem>>
      %dma_start3A_136 = tpu.memref_slice %arg8[%add3A_132] : memref<6400xi32, #tpu.memory_space<vmem>> -> memref<128xi32, #tpu.memory_space<vmem>>
      %dma_start3A_137 = arith.constant 0 : i32
      %dma_start3A_138 = arith.constant 0 : i32
      %dma_start3A_139 = tpu.memref_slice %arg5[%dma_start3A_137, %dma_start3A_138] : memref<999899x64xf32, #tpu.memory_space<hbm>> -> memref<999899x64xf32, #tpu.memory_space<hbm>>
      tpu.enqueue_indirect_dma source(%dma_start3A_139 : memref<999899x64xf32, #tpu.memory_space<hbm>>) target(%dma_start3A_135 : memref<128x64xf32, #tpu.memory_space<vmem>>) offsets(%dma_start3A_136 : memref<128xi32, #tpu.memory_space<vmem>>) semaphore(%arg13 : memref<!tpu.dma_semaphore, #tpu.memory_space<semaphore_mem>>)
      %add3A_140 = arith.constant 128 : i32
      %add3A_141 = arith.addi %mul3A_125, %add3A_140 : i32
      %dma_start3A_142 = arith.constant 128 : i32
      %dma_start3A_143 = arith.constant 0 : i32
      %dma_start3A_144 = tpu.memref_slice %arg11[%dma_start3A_142, %dma_start3A_143] : memref<640x64xf32, #tpu.memory_space<vmem>> -> memref<128x64xf32, #tpu.memory_space<vmem>>
      %dma_start3A_145 = tpu.memref_slice %arg8[%add3A_141] : memref<6400xi32, #tpu.memory_space<vmem>> -> memref<128xi32, #tpu.memory_space<vmem>>
      %dma_start3A_146 = arith.constant 0 : i32
      %dma_start3A_147 = arith.constant 0 : i32
      %dma_start3A_148 = tpu.memref_slice %arg5[%dma_start3A_146, %dma_start3A_147] : memref<999899x64xf32, #tpu.memory_space<hbm>> -> memref<999899x64xf32, #tpu.memory_space<hbm>>
      tpu.enqueue_indirect_dma source(%dma_start3A_148 : memref<999899x64xf32, #tpu.memory_space<hbm>>) target(%dma_start3A_144 : memref<128x64xf32, #tpu.memory_space<vmem>>) offsets(%dma_start3A_145 : memref<128xi32, #tpu.memory_space<vmem>>) semaphore(%arg13 : memref<!tpu.dma_semaphore, #tpu.memory_space<semaphore_mem>>)
      %add3A_149 = arith.constant 256 : i32
      %add3A_150 = arith.addi %mul3A_125, %add3A_149 : i32
      %dma_start3A_151 = arith.constant 256 : i32
      %dma_start3A_152 = arith.constant 0 : i32
      %dma_start3A_153 = tpu.memref_slice %arg11[%dma_start3A_151, %dma_start3A_152] : memref<640x64xf32, #tpu.memory_space<vmem>> -> memref<128x64xf32, #tpu.memory_space<vmem>>
      %dma_start3A_154 = tpu.memref_slice %arg8[%add3A_150] : memref<6400xi32, #tpu.memory_space<vmem>> -> memref<128xi32, #tpu.memory_space<vmem>>
      %dma_start3A_155 = arith.constant 0 : i32
      %dma_start3A_156 = arith.constant 0 : i32
      %dma_start3A_157 = tpu.memref_slice %arg5[%dma_start3A_155, %dma_start3A_156] : memref<999899x64xf32, #tpu.memory_space<hbm>> -> memref<999899x64xf32, #tpu.memory_space<hbm>>
      tpu.enqueue_indirect_dma source(%dma_start3A_157 : memref<999899x64xf32, #tpu.memory_space<hbm>>) target(%dma_start3A_153 : memref<128x64xf32, #tpu.memory_space<vmem>>) offsets(%dma_start3A_154 : memref<128xi32, #tpu.memory_space<vmem>>) semaphore(%arg13 : memref<!tpu.dma_semaphore, #tpu.memory_space<semaphore_mem>>)
      %add3A_158 = arith.constant 384 : i32
      %add3A_159 = arith.addi %mul3A_125, %add3A_158 : i32
      %dma_start3A_160 = arith.constant 384 : i32
      %dma_start3A_161 = arith.constant 0 : i32
      %dma_start3A_162 = tpu.memref_slice %arg11[%dma_start3A_160, %dma_start3A_161] : memref<640x64xf32, #tpu.memory_space<vmem>> -> memref<128x64xf32, #tpu.memory_space<vmem>>
      %dma_start3A_163 = tpu.memref_slice %arg8[%add3A_159] : memref<6400xi32, #tpu.memory_space<vmem>> -> memref<128xi32, #tpu.memory_space<vmem>>
      %dma_start3A_164 = arith.constant 0 : i32
      %dma_start3A_165 = arith.constant 0 : i32
      %dma_start3A_166 = tpu.memref_slice %arg5[%dma_start3A_164, %dma_start3A_165] : memref<999899x64xf32, #tpu.memory_space<hbm>> -> memref<999899x64xf32, #tpu.memory_space<hbm>>
      tpu.enqueue_indirect_dma source(%dma_start3A_166 : memref<999899x64xf32, #tpu.memory_space<hbm>>) target(%dma_start3A_162 : memref<128x64xf32, #tpu.memory_space<vmem>>) offsets(%dma_start3A_163 : memref<128xi32, #tpu.memory_space<vmem>>) semaphore(%arg13 : memref<!tpu.dma_semaphore, #tpu.memory_space<semaphore_mem>>)
      %add3A_167 = arith.constant 512 : i32
      %add3A_168 = arith.addi %mul3A_125, %add3A_167 : i32
      %dma_start3A_169 = arith.constant 512 : i32
      %dma_start3A_170 = arith.constant 0 : i32
      %dma_start3A_171 = tpu.memref_slice %arg11[%dma_start3A_169, %dma_start3A_170] : memref<640x64xf32, #tpu.memory_space<vmem>> -> memref<128x64xf32, #tpu.memory_space<vmem>>
      %dma_start3A_172 = tpu.memref_slice %arg8[%add3A_168] : memref<6400xi32, #tpu.memory_space<vmem>> -> memref<128xi32, #tpu.memory_space<vmem>>
      %dma_start3A_173 = arith.constant 0 : i32
      %dma_start3A_174 = arith.constant 0 : i32
      %dma_start3A_175 = tpu.memref_slice %arg5[%dma_start3A_173, %dma_start3A_174] : memref<999899x64xf32, #tpu.memory_space<hbm>> -> memref<999899x64xf32, #tpu.memory_space<hbm>>
      tpu.enqueue_indirect_dma source(%dma_start3A_175 : memref<999899x64xf32, #tpu.memory_space<hbm>>) target(%dma_start3A_171 : memref<128x64xf32, #tpu.memory_space<vmem>>) offsets(%dma_start3A_172 : memref<128xi32, #tpu.memory_space<vmem>>) semaphore(%arg13 : memref<!tpu.dma_semaphore, #tpu.memory_space<semaphore_mem>>)
      %dma_wait3A_176 = arith.constant 0 : i32
      %dma_wait3A_177 = arith.constant 0 : i32
      %dma_wait3A_178 = tpu.memref_slice %arg11[%dma_wait3A_176, %dma_wait3A_177] : memref<640x64xf32, #tpu.memory_space<vmem>> -> memref<128x64xf32, #tpu.memory_space<vmem>>
      %dma_wait3A_179 = tpu.memref_slice %arg8[%add3A_132] : memref<6400xi32, #tpu.memory_space<vmem>> -> memref<128xi32, #tpu.memory_space<vmem>>
      %dma_wait3A_180 = arith.constant 0 : i32
      %dma_wait3A_181 = arith.constant 0 : i32
      %dma_wait3A_182 = tpu.memref_slice %arg5[%dma_wait3A_180, %dma_wait3A_181] : memref<999899x64xf32, #tpu.memory_space<hbm>> -> memref<999899x64xf32, #tpu.memory_space<hbm>>
      tpu.wait_indirect_dma semaphore(%arg13 : memref<!tpu.dma_semaphore, #tpu.memory_space<semaphore_mem>>) src(%dma_wait3A_182 : memref<999899x64xf32, #tpu.memory_space<hbm>>) dst(%dma_wait3A_178 : memref<128x64xf32, #tpu.memory_space<vmem>>)
      %dma_wait3A_183 = arith.constant 128 : i32
      %dma_wait3A_184 = arith.constant 0 : i32
      %dma_wait3A_185 = tpu.memref_slice %arg11[%dma_wait3A_183, %dma_wait3A_184] : memref<640x64xf32, #tpu.memory_space<vmem>> -> memref<128x64xf32, #tpu.memory_space<vmem>>
      %dma_wait3A_186 = tpu.memref_slice %arg8[%add3A_141] : memref<6400xi32, #tpu.memory_space<vmem>> -> memref<128xi32, #tpu.memory_space<vmem>>
      %dma_wait3A_187 = arith.constant 0 : i32
      %dma_wait3A_188 = arith.constant 0 : i32
      %dma_wait3A_189 = tpu.memref_slice %arg5[%dma_wait3A_187, %dma_wait3A_188] : memref<999899x64xf32, #tpu.memory_space<hbm>> -> memref<999899x64xf32, #tpu.memory_space<hbm>>
      tpu.wait_indirect_dma semaphore(%arg13 : memref<!tpu.dma_semaphore, #tpu.memory_space<semaphore_mem>>) src(%dma_wait3A_189 : memref<999899x64xf32, #tpu.memory_space<hbm>>) dst(%dma_wait3A_185 : memref<128x64xf32, #tpu.memory_space<vmem>>)
      %dma_wait3A_190 = arith.constant 256 : i32
      %dma_wait3A_191 = arith.constant 0 : i32
      %dma_wait3A_192 = tpu.memref_slice %arg11[%dma_wait3A_190, %dma_wait3A_191] : memref<640x64xf32, #tpu.memory_space<vmem>> -> memref<128x64xf32, #tpu.memory_space<vmem>>
      %dma_wait3A_193 = tpu.memref_slice %arg8[%add3A_150] : memref<6400xi32, #tpu.memory_space<vmem>> -> memref<128xi32, #tpu.memory_space<vmem>>
      %dma_wait3A_194 = arith.constant 0 : i32
      %dma_wait3A_195 = arith.constant 0 : i32
      %dma_wait3A_196 = tpu.memref_slice %arg5[%dma_wait3A_194, %dma_wait3A_195] : memref<999899x64xf32, #tpu.memory_space<hbm>> -> memref<999899x64xf32, #tpu.memory_space<hbm>>
      tpu.wait_indirect_dma semaphore(%arg13 : memref<!tpu.dma_semaphore, #tpu.memory_space<semaphore_mem>>) src(%dma_wait3A_196 : memref<999899x64xf32, #tpu.memory_space<hbm>>) dst(%dma_wait3A_192 : memref<128x64xf32, #tpu.memory_space<vmem>>)
      %dma_wait3A_197 = arith.constant 384 : i32
      %dma_wait3A_198 = arith.constant 0 : i32
      %dma_wait3A_199 = tpu.memref_slice %arg11[%dma_wait3A_197, %dma_wait3A_198] : memref<640x64xf32, #tpu.memory_space<vmem>> -> memref<128x64xf32, #tpu.memory_space<vmem>>
      %dma_wait3A_200 = tpu.memref_slice %arg8[%add3A_159] : memref<6400xi32, #tpu.memory_space<vmem>> -> memref<128xi32, #tpu.memory_space<vmem>>
      %dma_wait3A_201 = arith.constant 0 : i32
      %dma_wait3A_202 = arith.constant 0 : i32
      %dma_wait3A_203 = tpu.memref_slice %arg5[%dma_wait3A_201, %dma_wait3A_202] : memref<999899x64xf32, #tpu.memory_space<hbm>> -> memref<999899x64xf32, #tpu.memory_space<hbm>>
      tpu.wait_indirect_dma semaphore(%arg13 : memref<!tpu.dma_semaphore, #tpu.memory_space<semaphore_mem>>) src(%dma_wait3A_203 : memref<999899x64xf32, #tpu.memory_space<hbm>>) dst(%dma_wait3A_199 : memref<128x64xf32, #tpu.memory_space<vmem>>)
      %dma_wait3A_204 = arith.constant 512 : i32
      %dma_wait3A_205 = arith.constant 0 : i32
      %dma_wait3A_206 = tpu.memref_slice %arg11[%dma_wait3A_204, %dma_wait3A_205] : memref<640x64xf32, #tpu.memory_space<vmem>> -> memref<128x64xf32, #tpu.memory_space<vmem>>
      %dma_wait3A_207 = tpu.memref_slice %arg8[%add3A_168] : memref<6400xi32, #tpu.memory_space<vmem>> -> memref<128xi32, #tpu.memory_space<vmem>>
      %dma_wait3A_208 = arith.constant 0 : i32
      %dma_wait3A_209 = arith.constant 0 : i32
      %dma_wait3A_210 = tpu.memref_slice %arg5[%dma_wait3A_208, %dma_wait3A_209] : memref<999899x64xf32, #tpu.memory_space<hbm>> -> memref<999899x64xf32, #tpu.memory_space<hbm>>
      tpu.wait_indirect_dma semaphore(%arg13 : memref<!tpu.dma_semaphore, #tpu.memory_space<semaphore_mem>>) src(%dma_wait3A_210 : memref<999899x64xf32, #tpu.memory_space<hbm>>) dst(%dma_wait3A_206 : memref<128x64xf32, #tpu.memory_space<vmem>>)
      %scan3A_211 = arith.constant 0 : i32
      %scan3A_212 = arith.constant 0 : i32
      %scan3A_213 = arith.constant 40 : i32
      %scan3A_214 = arith.addi %scan3A_212, %scan3A_213 : i32
      %scan3A_215 = arith.constant 1 : i32
      scf.for %scan3A_222 = %scan3A_212 to %scan3A_214 step %scan3A_215  : i32 {
        %mul3A_223 = arith.constant 40 : i32
        %mul3A_224 = arith.muli %add3A_123, %mul3A_223 : i32
        %add3A_225 = arith.addi %mul3A_224, %scan3A_222 : i32
        %get3A = arith.index_cast %add3A_225 : i32 to index
        %get3A_226 = memref.load %arg12[%get3A] : memref<400xi32, #tpu.memory_space<smem>>
        %gt3A = arith.constant 0 : i32
        %gt3A_227 = arith.cmpi sgt, %get3A_226, %gt3A : i32
        %convert_element_type3A_228 = arith.extui %gt3A_227 : i1 to i32
        %cond3A_229 = arith.constant 0 : i32
        %cond3A_230 = arith.cmpi ne, %convert_element_type3A_228, %cond3A_229 : i32
        scf.if %cond3A_230 {
          %mul3A_231 = arith.constant 16 : i32
          %mul3A_232 = arith.muli %add3A_225, %mul3A_231 : i32
          %get3A_233 = arith.index_cast %mul3A_232 : i32 to index
          %get3A_234 = tpu.vector_load %arg7[%get3A_233] {strides = array<i32>} : memref<6400xi32, #tpu.memory_space<vmem>>, vector<16xi32>,
          %lt3A = arith.constant 101 : i32
          %lt3A_235 = vector.broadcast %lt3A : i32 to vector<16xi32>
          %lt3A_236 = arith.cmpi slt, %get3A_234, %lt3A_235 : vector<16xi32>
          %jit3A = arith.constant 0 : i32
          %broadcast_in_dim3A = vector.broadcast %jit3A : i32 to vector<16xi32>
          %select_n3A = arith.select %lt3A_236, %get3A_234, %broadcast_in_dim3A : vector<16xi1>, vector<16xi32>
          %mul3A_237 = arith.constant 16 : i32
          %mul3A_238 = arith.muli %scan3A_222, %mul3A_237 : i32
          %iota3A = tpu.iota {dimensions = array<i32: 0>} : vector<16xi32>
          %add3A_239 = vector.broadcast %mul3A_238 : i32 to vector<16xi32>
          %add3A_240 = arith.addi %add3A_239, %iota3A : vector<16xi32>
          %scan3A_241 = arith.constant 0 : i32
          %scan3A_242 = arith.constant 0 : i32
          %scan3A_243 = arith.constant 64 : i32
          %scan3A_244 = arith.addi %scan3A_242, %scan3A_243 : i32
          %scan3A_245 = arith.constant 1 : i32
          scf.for %scan3A_247 = %scan3A_242 to %scan3A_244 step %scan3A_245  : i32 {
            %broadcast_in_dim3A_248 = vector.broadcast %scan3A_247 : i32 to vector<16xi32>
            %gather3A = tpu.vector_load_idx %arg9[%select_n3A, %broadcast_in_dim3A_248] masked %lt3A_236 : memref<104x64xf32, #tpu.memory_space<vmem>>[vector<16xi32>, vector<16xi32>], vector<16xf32>, vector<16xi1>
            tpu.vector_store_idx %arg11[%add3A_240, %broadcast_in_dim3A_248], %gather3A masked %lt3A_236 : memref<640x64xf32, #tpu.memory_space<vmem>>[vector<16xi32>, vector<16xi32>], vector<16xf32>, vector<16xi1>
          }
          %scan3A_246 = arith.constant 64 : i32
        } else {
        }
      }
      %scan3A_216 = arith.constant 40 : i32
      %add3A_217 = arith.addi %mul3A_2, %mul3A_125 : i32
      %dma_start3A_218 = arith.constant 0 : i32
      %dma_start3A_219 = tpu.memref_slice %arg6[%add3A_217, %dma_start3A_218] : memref<204800x64xf32, #tpu.memory_space<hbm>> -> memref<640x64xf32, #tpu.memory_space<hbm>>
      %dma_start3A_220 = arith.constant 0 : i32
      %dma_start3A_221 = tpu.memref_slice %arg6[%add3A_217, %dma_start3A_220] : memref<204800x64xf32, #tpu.memory_space<hbm>> -> memref<640x64xf32, #tpu.memory_space<hbm>>
      tpu.enqueue_dma source(%arg11 : memref<640x64xf32, #tpu.memory_space<vmem>>) target(%dma_start3A_221 : memref<640x64xf32, #tpu.memory_space<hbm>>) target_semaphore(%arg14 : memref<!tpu.dma_semaphore, #tpu.memory_space<semaphore_mem>>)
    }
    %scan3A_13 = arith.constant 5 : i32
    %dma_wait3A = arith.constant 0 : i32
    %dma_wait3A_14 = tpu.memref_slice %arg6[%mul3A_2, %dma_wait3A] : memref<204800x64xf32, #tpu.memory_space<hbm>> -> memref<640x64xf32, #tpu.memory_space<hbm>>
    %dma_wait3A_15 = arith.constant 0 : i32
    %dma_wait3A_16 = tpu.memref_slice %arg6[%mul3A_2, %dma_wait3A_15] : memref<204800x64xf32, #tpu.memory_space<hbm>> -> memref<640x64xf32, #tpu.memory_space<hbm>>
    tpu.wait_dma2 semaphore(%arg14 : memref<!tpu.dma_semaphore, #tpu.memory_space<semaphore_mem>>) src(%arg10 : memref<640x64xf32, #tpu.memory_space<vmem>>) dst(%dma_wait3A_16 : memref<640x64xf32, #tpu.memory_space<hbm>>)
    %dma_wait3A_17 = arith.constant 0 : i32
    %dma_wait3A_18 = tpu.memref_slice %arg6[%mul3A_2, %dma_wait3A_17] : memref<204800x64xf32, #tpu.memory_space<hbm>> -> memref<640x64xf32, #tpu.memory_space<hbm>>
    %dma_wait3A_19 = arith.constant 0 : i32
    %dma_wait3A_20 = tpu.memref_slice %arg6[%mul3A_2, %dma_wait3A_19] : memref<204800x64xf32, #tpu.memory_space<hbm>> -> memref<640x64xf32, #tpu.memory_space<hbm>>
    tpu.wait_dma2 semaphore(%arg14 : memref<!tpu.dma_semaphore, #tpu.memory_space<semaphore_mem>>) src(%arg10 : memref<640x64xf32, #tpu.memory_space<vmem>>) dst(%dma_wait3A_20 : memref<640x64xf32, #tpu.memory_space<hbm>>)
    return
  }
}

</mosaic_0001>

<sc_bundles>
// kernel: kernel.3.cloned.1.call-start
scs
__scs_entry_jumppad:
0x0: {  	(pc) =	sbr.rel $0x88, $3  }
0x1: {  	(tag) =	ssettag $0x0;
	lr =	simm.s32 $0x1  }
0x2: {  	[smem:$0x3F9D] =	sst lr;
	_ =	strace $0xD0000000  }
0x3: {  	_ = 	snop  }
0x4: {  	_ = 	snop  }
0x5: {  	_ = 	snop  }
0x6: {  	_ = 	snop  }
0x7: {  	_ = 	snop  }
__scs_overlays_trampoline_lowered:
0x8: {  	[smem:$0x3FAC] =	sst s0  }
0x9: {  	[smem:$0x3FAD] =	sst s1  }
0xa: {  	[smem:$0x3FAE] =	sst s2  }
0xb: {  	[smem:$0x3FAF] =	sst s3  }
0xc: {  	[smem:$0x3FB0] =	sst s4  }
0xd: {  	[smem:$0x3FB1] =	sst s5  }
0xe: {  	[smem:$0x3FB2] =	sst s6  }
0xf: {  	[smem:$0x3FB3] =	sst s7  }
0x10: {  	[smem:$0x3FB4] =	sst s8  }
0x11: {  	[smem:$0x3FB5] =	sst s9;
	s0 =	simm.s32 @!p0 $0x0  }
0x12: {  	s1 =	sld [smem:$0x3F9B];
	s0 =	simm.s32 @p0 $0x1  }
0x13: {  	[smem:$0x3FB6] =	sst s0;
	s0 =	simm.s32 @!p1 $0x0  }
0x14: {  	s2 =	sld [smem:$0x3F9A];
	s0 =	simm.s32 @p1 $0x1  }
0x15: {  	[smem:$0x3FB7] =	sst s0;
	s0 =	simm.s32 @!p2 $0x0  }
0x16: {  	s3 =	sld [smem:$0x3FDB];
	s0 =	simm.s32 @p2 $0x1  }
0x17: {  	s4 =	simm.s32 $0x1BF5;
	[smem:$0x3FB9] =	sst s0  }
0x18: {  	s0 =	sld [smem:$0x3F9C];
	_ =	swait.ge [sflag:s4], $0x0  }
0x19: {  	s7 =	sld [smem:$0x3F9D]  }
0x1a: {  	s8 =	sadd.s32 $0xFFFFE003, lr  }
0x1b: {  	s9 =	sadd.s32 $0xFFFFFEF7, lr;
	s5 =	simm.s32 $0xFFFFFFFF;
	p2 =	slt.u32 s8, $0xFFFFF086  }
0x1c: {  	p1 =	slt.u32 s9, $0xF7A;
	s5 =	simm.s32 @!p2 $0x0  }
0x1d: {  	s5 =	simm.s32 @p1 $0x1;
	p0 =	seq.s32 s7, s2  }
0x1e: {  	s7 =	smul.u32 @!p0 $0xF7A, s2;
	p2 =	seq.s32 @!p0 s5, $0x0  }
0x1f: {  	s9 =	smul.u32 $0xF7A, s1;
	s8 =	simm.s32 @!p0 $0x1BF5;
	p2 =	por !p2, p0  }
0x20: {  	[sflag:s8] =	ssyncset.s32 @!p0 $0xFFFFF086;
	s6 =	sadd.s32 @!p0 s3, s7;
	s7 =	simm.s32 @!p0 $0x108  }
0x21: {  	s3 =	sadd.s32 s3, s9;
	s6 =	sadd.s32 @!p0 $0x88, s6;
	s7 =	simm.s32 @p2 $0x1082  }
0x22: {  	[simem:s7], [sflag:s8] =	dma.local @!p0 [hbm:s6], $0xF7A  }
0x23: {  	s9 =	sor.u32 $0xD0000000, s2;
	s6 =	simm.s32 $0x108;
	_ =	swait.ge @!p0 [sflag:s8], $0x0  }
0x24: {  	s3 =	sadd.s32 $0x88, s3;
	s6 =	simm.s32 @!p1 $0x1082;
	[sflag:s4] =	ssyncset.s32 $0xFFFFF086  }
0x25: {  	[simem:s6], [sflag:s4] =	dma.local [hbm:s3], $0xF7A  }
0x26: {  	[smem:$0x3F9D] =	sst s1;
	(tag) =	ssettag s2;
	_ =	strace s9  }
0x27: {  	s1 =	sld [smem:$0x3FAD]  }
0x28: {  	s2 =	sld [smem:$0x3FAE]  }
0x29: {  	s4 =	sld [smem:$0x3FB0]  }
0x2a: {  	p0 =	seq.s32 s5, $0x0;
	s5 =	sld [smem:$0x3FB1]  }
0x2b: {  	s6 =	sld [smem:$0x3FB2]  }
0x2c: {  	s7 =	sld [smem:$0x3FB3]  }
0x2d: {  	s3 =	simm.s32 $0x108;
	s8 =	sld [smem:$0x3FB4]  }
0x2e: {  	s3 =	simm.s32 @!p0 $0x1082;
	s9 =	sld [smem:$0x3FB5]  }
0x2f: {  	lr =	sadd.s32 s0, s3;
	s0 =	sld [smem:$0x3FAC]  }
0x30: {  	s3 =	sld [smem:$0x3FAF]  }
0x31: {  	[smem:$0x3FB8] =	sst s10  }
0x32: {  	s10 =	sld [smem:$0x3FB6];
	_ =	sdelay $0x3  }
0x33: {  	p0 =	seq.s32 s10, $0x1;
	s10 =	sld [smem:$0x3FB8];
	_ =	sdelay $0x3  }
0x34: {  	[smem:$0x3FB8] =	sst s10  }
0x35: {  	s10 =	sld [smem:$0x3FB7];
	_ =	sdelay $0x3  }
0x36: {  	p1 =	seq.s32 s10, $0x1;
	s10 =	sld [smem:$0x3FB8];
	_ =	sdelay $0x3  }
0x37: {  	[smem:$0x3FB8] =	sst s10  }
0x38: {  	s10 =	sld [smem:$0x3FB9]  }
0x39: {  	_ = 	snop;
	(pc) =	sbr.ind lr, $3  }
0x3a: {  	_ = 	snop  }
0x3b: {  	_ = 	snop  }
0x3c: {  	p2 =	seq.s32 s10, $0x1;
	s10 =	sld [smem:$0x3FB8]  }
0x3d: {  	_ =	shalt  }
0x3e: {  	_ =	shalt  }
0x3f: {  	_ =	shalt  }
0x40: {  	_ =	shalt  }
0x41: {  	_ =	shalt  }
0x42: {  	_ =	shalt  }
0x43: {  	_ =	shalt  }
0x44: {  	_ =	shalt  }
0x45: {  	_ =	shalt  }
0x46: {  	_ =	shalt  }
0x47: {  	_ =	shalt  }
0x48: {  	_ =	shalt  }
0x49: {  	_ =	shalt  }
0x4a: {  	_ =	shalt  }
0x4b: {  	_ =	shalt  }
0x4c: {  	_ =	shalt  }
0x4d: {  	_ =	shalt  }
0x4e: {  	_ =	shalt  }
0x4f: {  	_ =	shalt  }
0x50: {  	_ =	shalt  }
0x51: {  	_ =	shalt  }
0x52: {  	_ =	shalt  }
0x53: {  	_ =	shalt  }
0x54: {  	_ =	shalt  }
0x55: {  	_ =	shalt  }
0x56: {  	_ =	shalt  }
0x57: {  	_ =	shalt  }
0x58: {  	_ =	shalt  }
0x59: {  	_ =	shalt  }
0x5a: {  	_ =	shalt  }
0x5b: {  	_ =	shalt  }
0x5c: {  	_ =	shalt  }
0x5d: {  	_ =	shalt  }
0x5e: {  	_ =	shalt  }
0x5f: {  	_ =	shalt  }
0x60: {  	_ =	shalt  }
0x61: {  	_ =	shalt  }
0x62: {  	_ =	shalt  }
0x63: {  	_ =	shalt  }
0x64: {  	_ =	shalt  }
0x65: {  	_ =	shalt  }
0x66: {  	_ =	shalt  }
0x67: {  	_ =	shalt  }
0x68: {  	_ =	shalt  }
0x69: {  	_ =	shalt  }
0x6a: {  	_ =	shalt  }
0x6b: {  	_ =	shalt  }
0x6c: {  	_ =	shalt  }
0x6d: {  	_ =	shalt  }
0x6e: {  	_ =	shalt  }
0x6f: {  	_ =	shalt  }
0x70: {  	_ =	shalt  }
0x71: {  	_ =	shalt  }
0x72: {  	_ =	shalt  }
0x73: {  	_ =	shalt  }
0x74: {  	_ =	shalt  }
0x75: {  	_ =	shalt  }
0x76: {  	_ =	shalt  }
0x77: {  	_ =	shalt  }
0x78: {  	_ =	shalt  }
0x79: {  	_ =	shalt  }
0x7a: {  	_ =	shalt  }
0x7b: {  	_ =	shalt  }
0x7c: {  	_ =	shalt  }
0x7d: {  	_ =	shalt  }
0x7e: {  	_ =	shalt  }
0x7f: {  	_ =	shalt  }
0x80: {  	_ =	shalt  }
0x81: {  	_ =	shalt  }
0x82: {  	_ =	shalt  }
0x83: {  	_ =	shalt  }
0x84: {  	_ =	shalt  }
0x85: {  	_ =	shalt  }
0x86: {  	_ =	shalt  }
0x87: {  	_ =	shalt  }
.Lfunc_end0:
.L_simem_size_0:
called_computation.1_lowered:
.L_overlay_start_0:
0x88: {  	s2 =	sld [smem:$0x3FD9]  }
0x89: {  	s3 =	sld [smem:$0x3FFE];
	_ =	sdelay $0x1  }
0x8a: {  	s1 =	srdreg.scid  }
0x8b: {  	s0 =	sand.u32 $0x1, s1  }
0x8c: {  	s17 =	sshll.u32 s0, $0xA;
	s2 =	sadd.s32 s3, s2  }
0x8d: {  	s2 =	sadd.s32 s2, s17  }
0x8e: {  	[smem:$0x3FC4] =	sst s2  }
0x8f: {  	_ = 	snop  }
0x90: {  	s2 =	sld [smem:$0x3FC7]  }
0x91: {  	s18 =	sld [smem:$0x3FD0];
	(tm) =	ssettm $0x1  }
0x92: {  	s4 =	sld [smem:$0x3FFB];
	_ =	sdelay $0x3  }
0x93: {  	_ =	strace s4  }
0x94: {  	s4 =	sld [smem:$0x3FFC];
	_ =	sdelay $0x3  }
0x95: {  	_ =	strace s4  }
0x96: {  	s4 =	sld [smem:$0x3FFD];
	_ =	sdelay $0x3  }
0x97: {  	_ =	strace s4  }
0x98: {  	_ =	strace $0x8FFFFFFF  }
0x99: {  	s19 =	sld [smem:$0x3FDB];
	_ =	sdelay $0x1  }
0x9a: {  	s5 =	simm.s32 $_scs_section_size  }
0x9b: {  	s6 =	simm.s32 $_size__tile_overlayer_lowered;
	s7 =	simm.s32 $_tile_overlayer_lowered  }
0x9c: {  	s22 =	simm.s32 $0x1BFF;
	s21 =	sshll.u32 s7, $0x1;
	s4 =	sadd.s32 s5, s19  }
0x9d: {  	s8 =	simm.s32 $0x0;
	s20 =	sshll.u32 s6, $0x1;
	s6 =	sadd.s32 s21, s4  }
0x9e: {  	[timem:s8], [sflag:s22] =	dma.local [hbm:s6], s20  }
0x9f: {  	_ =	swait.ge [sflag:s22], s20  }
0xa0: {  	s5 =	ssub.s32 $0x0, s20;
	[sflag:s22] =	ssyncset.done $0x0  }
0xa1: {  	[sflag:s22] =	ssyncadd.s32 s5;
	_ =	sdelay $0x1  }
0xa2: {  	s23 =	simm.s32 $0x1B8B  }
0xa3: {  	_ =	swait.ge [sflag:s23], $0x1  }
0xa4: {  	[sflag:s23] =	ssyncset.done $0x0  }
0xa5: {  	s25 =	simm.s32 $0x1B8E;
	s24 =	sld [smem:$0x3FFE];
	[sflag:s23] =	ssyncadd.s32 $0xFFFFFFFF  }
0xa6: {  	s26 =	simm.s32 $execute0_lowered;
	[smem:$0x3FD2] =	sst s25  }
0xa7: {  	s6 =	sshll.u32 s26, $0x1;
	_ =	strace $0x80000046;
	[dreg:$0x1] =	wrdreg $0xFFFFFFFF  }
0xa8: {  	s28 =	simm.s32 $_size_execute0_lowered;
	s4 =	sadd.s32 s4, s6;
	[dreg:$0x0] =	wrdreg $0x0  }
0xa9: {  	s6 =	sshll.u32 s28, $0x1;
	[dreg:$0x2] =	wrdreg s4  }
0xaa: {  	[dreg:$0x3] =	wrdreg s6  }
0xab: {  	[dreg:$0x4] =	wrdreg $0xC0  }
0xac: {  	_ =	task [dreg:s8], $0x5FFFF  }
0xad: {  	[dreg:$0x1] =	wrdreg $0xFFFFFFFF  }
0xae: {  	[dreg:$0x0] =	wrdreg $0x60  }
0xaf: {  	[dreg:$0x2] =	wrdreg s24  }
0xb0: {  	[dreg:$0x3] =	wrdreg s2  }
0xb1: {  	[dreg:$0x4] =	wrdreg s18  }
0xb2: {  	[dreg:$0x5] =	wrdreg $0x9  }
0xb3: {  	_ =	task.clear_ibuf [dreg:s8], $0x6FFFF;
	_ =	strace $0x90000046  }
0xb4: {  	s29 =	simm.s32 $0x9;
	_ =	strace $0x80000048  }
0xb5: {  	_ =	swait.ge [sflag:s29], $0x1  }
0xb6: {  	[sflag:s29] =	ssyncadd.s32 $0xFFFFFFFF  }
0xb7: {  	_ =	strace $0x90000048  }
0xb8: {  	_ =	sfence  }
0xb9: {  	s30 =	sld [smem:$0x0];
	_ =	sdelay $0x2  }
0xba: {  	s31 =	sshll.u32 s1, $0xD;
	s1 =	sshrl.u32 s1, $0x2  }
0xbb: {  	s3 =	sand.u32 $0x4000, s31;
	s1 =	sadd.s32 s1, s30  }
0xbc: {  	s0 =	sor.u32 s3, s0;
	s1 =	sshll.u32 s1, $0x11  }
0xbd: {  	s0 =	sor.u32 s1, s0  }
0xbe: {  	s0 =	sadd.s32 $0x8F2B, s0  }
0xbf: {  	[sflag:s0] =	ssyncadd.remote.s32 $0x1  }
0xc0: {  	_ =	sfence.sel $0xFFFF  }
0xc1: {  	[dreg:$0x0] =	wrdreg $0xFFFFFFFF;
	(pc) =	sbr.abs _section_cstart, $3  }
0xc2: {  	[dreg:$0x1] =	wrdreg $0xFFFFFFFF  }
0xc3: {  	_ =	task.clear_ibuf [dreg:s8], $0x2FFFF;
	_ =	strace $0x9FFFFFFF  }
0xc4: {  	(tm) =	ssettm $0x7FFFFFFF  }
0xc5: {  	_ =	shalt  }
tec
execute0_lowered:
.L_overlay_start_1:
0x0: {  	(tag) =	ssettag $0x1  }
0x1: {  	s0 =	rddreg [dreg:$0x0]  }
0x2: {  	s1 =	srdreg.scid;
	s3 =	stileid.u32  }
0x3: {  	s2 =	rddreg [dreg:$0x1];
	s10 =	simm.s32 $0x3200;
	s11 =	simm.s32 $0x3  }
0x4: {  	s12 =	simm.s32 $0x4B00;
	s13 =	simm.s32 $0x80;
	s14 =	simm.s32 $0x4C00  }
0x5: {  	s15 =	simm.s32 $0x6C00;
	s16 =	simm.s32 $0x8C00;
	s17 =	simm.s32 $0xAC00  }
0x6: {  	s18 =	simm.s32 $0xCC00;
	s19 =	simm.s32 $0x1;
	s20 =	simm.s32 $0xEC00  }
0x7: {  	s21 =	simm.s32 $0x10C00;
	s1 =	sand.u32 $0x1, s1;
	s4 =	sshll.u32 s3, $0x1  }
0x8: {  	s22 =	simm.s32 $0x12C00;
	s23 =	simm.s32 $0x14C00;
	s5 =	sor.u32 s1, s4  }
0x9: {  	s24 =	simm.s32 $0x16C00;
	s25 =	simm.s32 $0x2;
	s5 =	smul.u32 $0x1900, s5  }
.Ltmp0:
0xa: {  	s26 =	simm.s32 $0x0;
	s3 =	rddreg [dreg:$0x2];
	(pc) =	sbr.rel .LBB2_1-.Ltmp0, $4  }
0xb: {  	s7 =	sadd.s32 $0xF42A00, s0;
	s4 =	simm.s32 $0x0;
	s1 =	ssub.s32 $0x2, s1  }
0xc: {  	[smem:$0x7FF] =	sst s4;
	s9 =	sshrl.u32 s1, $0x1;
	s6 =	sshrl.u32 s5, $0x3  }
0xd: {  	v1 =	vlaneseq.u32;
	_ =	strace $0x80000047;
	s31 =	ssub.s32 s1, s9;
	s8 =	sadd.s32 s6, s0  }
0xe: {  	v0 =	vimm.s32 $0x0;
	v1 =	vmul.u32 $0x40, v1;
	s9 =	smax.u32 s31, $0x1;
	s6 =	sadd.s32 $0x7000, s0;
	s8 =	sadd.s32 $0xC00, s8  }
.LBB2_17:
0xf: {  	s26 =	sadd.s32 $0x1, s26  }
0x10: {  	_ =	swait.ge [sflag:s25], $0xA000;
	p0 =	sne.s32 s26, s9  }
.Ltmp1:
0x11: {  	[sflag:s25] =	ssyncset.done $0x0;
	(pc) =	sbr.rel @!p0 .LBB2_18-.Ltmp1, $4  }
0x12: {  	[sflag:s25] =	ssyncadd.s32 $0xFFFF6000  }
0x13: {  	_ =	swait.ge [sflag:s25], $0xA000  }
0x14: {  	[sflag:s25] =	ssyncset.done $0x0  }
0x15: {  	[sflag:s25] =	ssyncadd.s32 $0xFFFF6000  }
.LBB2_1:
0x16: {  	[tilespmem:s10], [sflag:$0x3] =	stream.linear.gather [hbm4b:s6+s4], $0x1900, $0x38;
	[tilespmem:$0x18C00] =	vst v63  }
0x17: {  	_ =	swait.ge [sflag:s11], $0x1900  }
0x18: {  	[sflag:s11] =	ssyncset.done $0x0  }
0x19: {  	[sflag:s11] =	ssyncadd.s32 $0xFFFFE700  }
0x1a: {  	[tilespmem:s12], [sflag:$0x3] =	stream.linear.gather [hbm4b:s2+s4], $0x40, $0x38;
	[tilespmem:$0x18C00] =	vst v63  }
0x1b: {  	_ =	swait.ge [sflag:s11], $0x40  }
0x1c: {  	[sflag:s11] =	ssyncset.done $0x0  }
0x1d: {  	[sflag:s11] =	ssyncadd.s32 $0xFFFFFFC0  }
0x1e: {  	[tilespmem:s4], [sflag:$0x3] =	stream.linear.gather [hbm4b:s8+s4], $0x1900, $0x38;
	[tilespmem:$0x18C00] =	vst v63  }
0x1f: {  	_ =	swait.ge [sflag:s11], $0x1900  }
0x20: {  	[sflag:s11] =	ssyncset.done $0x0  }
0x21: {  	s0 =	simm.s32 $0x0;
	[sflag:s11] =	ssyncadd.s32 $0xFFFFE700  }
0x22: {  	v2 =	vld [tilespmem:s0+$0x0];
	_ =	sdelay $0x4  }
0x23: {  	s1 =	simm.s32 $0x10;
	vm0 =	vlt.s32 v2, $0x65  }
0x24: {  	v4 =	vld [tilespmem:s1+$0x0];
	v3 =	vsel vm0, $0x1, v0  }
0x25: {  	(xrf0) =	vadd.scan.msk.s32 $0xffff, v3;
	_ =	sdelay $0x3  }
0x26: {  	vm13 =	vlt.s32 v4, $0x65;
	v2 =	vsel vm0, $0x65, v2  }
0x27: {  	v2 =	vadd.s32 $0xFFFFFF9B, v2;
	v3 =	vsel vm13, $0x65, v4  }
0x28: {  	s31 =	simm.s32 $0x20;
	[tilespmem:s0+$0x1900] =	vst v2;
	v3 =	vadd.s32 $0xFFFFFF9B, v3;
	v57, _, _ =	vpop (xrf0)  }
0x29: {  	s30 =	simm.s32 $0x30;
	v2 =	vld [tilespmem:s31+$0x0];
	[tilespmem:s1+$0x1900] =	vst v3;
	(v2sf) =	vpush v57, $0xF  }
0x2a: {  	v3 =	vld [tilespmem:s30+$0x0];
	_ =	sdelay $0x2  }
0x2b: {  	v58 =	vsel vm13, $0x1, v0  }
0x2c: {  	(xrf0) =	vadd.scan.msk.s32 $0xffff, v58;
	vm1 =	vlt.s32 v2, $0x65  }
0x2d: {  	v59 =	vsel vm1, $0x1, v0;
	vm14 =	vlt.s32 v3, $0x65  }
0x2e: {  	(xrf0) =	vadd.scan.msk.s32 $0xffff, v59;
	v60 =	vsel vm14, $0x1, v0  }
0x2f: {  	(xrf0) =	vadd.scan.msk.s32 $0xffff, v60;
	_ =	sdelay $0x2  }
0x30: {  	v61, _, _ =	vpop (xrf0)  }
0x31: {  	(v2sf) =	vpush v61, $0xF  }
0x32: {  	v2 =	vsel vm1, $0x65, v2;
	v62, _, _ =	vpop (xrf0)  }
0x33: {  	v2 =	vadd.s32 $0xFFFFFF9B, v2;
	(v2sf) =	vpush v62, $0xF;
	v5, _, _ =	vpop (xrf0)  }
0x34: {  	[tilespmem:s31+$0x1900] =	vst v2;
	s31 =	simm.s32 $0x40;
	s28 =	spop (v2sf);
	(v2sf) =	vpush v5, $0xF  }
0x35: {  	v2 =	vld [tilespmem:s31+$0x0];
	_ =	sdelay $0x2  }
0x36: {  	v3 =	vsel vm14, $0x65, v3  }
0x37: {  	v3 =	vadd.s32 $0xFFFFFF9B, v3  }
0x38: {  	s1 =	simm.s32 $0x50;
	[tilespmem:s30+$0x1900] =	vst v3;
	vm15 =	vlt.s32 v2, $0x65  }
0x39: {  	v3 =	vsel vm15, $0x65, v2;
	v2 =	vld [tilespmem:s1+$0x0];
	v63 =	vsel vm15, $0x1, v0  }
0x3a: {  	v3 =	vadd.s32 $0xFFFFFF9B, v3;
	(xrf0) =	vadd.scan.msk.s32 $0xffff, v63  }
0x3b: {  	s29 =	simm.s32 $0x180;
	[tilespmem:s31+$0x1900] =	vst v3;
	[smem:s4] =	sst s28;
	s28 =	simm.s32 $0x0  }
.LBB2_2:
0x3c: {  	p0 =	sne.s32 s29, $0x63C0  }
.Ltmp2:
0x3d: {  	s0 =	sshra.s32 s29, $0x2;
	s28 =	sadd.s32 $0x1, s28;
	(pc) =	sbr.rel @p0 .LBB2_2-.Ltmp2, $4  }
0x3e: {  	s29 =	sadd.s32 $0x40, s29;
	s30 =	spop (v2sf);
	vm0 =	vlt.s32 v2, $0x65  }
0x3f: {  	v3 =	vsel vm0, $0x65, v2;
	v2 =	vld [tilespmem:s0+$0x0];
	v5 =	vsel vm0, $0x1, v0;
	[smem:s28] =	sst s30  }
0x40: {  	v3 =	vadd.s32 $0xFFFFFF9B, v3;
	(xrf0) =	vadd.scan.msk.s32 $0xffff, v5;
	v4, _, _ =	vpop (xrf0)  }
0x41: {  	[tilespmem:s1+$0x1900] =	vst v3;
	(v2sf) =	vpush v4, $0xF;
	s1 =	smov.u32 s0  }
0x42: {  	_ =	sdelay $0x1  }
0x43: {  	vm0 =	vlt.s32 v2, $0x65  }
0x44: {  	v3 =	vsel vm0, $0x1, v0  }
0x45: {  	(xrf0) =	vadd.scan.msk.s32 $0xffff, v3;
	_ =	sdelay $0x4  }
0x46: {  	v3, _, _ =	vpop (xrf0)  }
0x47: {  	(v2sf) =	vpush v3, $0xF;
	v3, _, _ =	vpop (xrf0)  }
0x48: {  	(v2sf) =	vpush v3, $0xF;
	_ =	sdelay $0x9  }
0x49: {  	s0 =	spop (v2sf);
	s28 =	sadd.s32 $0x1, s28  }
0x4a: {  	[smem:s28] =	sst s0  }
.Ltmp3:
0x4b: {  	s30 =	spop (v2sf);
	s28 =	sadd.s32 $0x1, s28;
	(pc) =	sbr.rel .LBB2_4-.Ltmp3, $4  }
0x4c: {  	[smem:s28] =	sst s30;
	s31 =	sadd.s32 $0x1, s28;
	s28 =	spop (v2sf)  }
0x4d: {  	v2 =	vsel vm0, $0x65, v2;
	s0 =	sadd.s32 $0x1, s31;
	[smem:s31] =	sst s28;
	s28 =	spop (v2sf)  }
0x4e: {  	v2 =	vadd.s32 $0xFFFFFF9B, v2;
	[smem:s0] =	sst s28;
	s0 =	sadd.s32 $0x1, s0;
	s28 =	spop (v2sf)  }
0x4f: {  	[tilespmem:s1+$0x1900] =	vst v2;
	[smem:s0] =	sst s28;
	s28 =	simm.s32 $0x0  }
.LBB2_16:
0x50: {  	s28 =	sadd.s32 $0x1, s28  }
0x51: {  	p0 =	sne.s32 s28, $0x5  }
.Ltmp4:
0x52: {  	s0 =	sadd.s32 s5, s29;
	(pc) =	sbr.rel @!p0 .LBB2_17-.Ltmp4, $4  }
0x53: {  	s0 =	sshll.u32 s0, $0x3  }
0x54: {  	s0 =	sand.u32 $0x1FFFFC00, s0  }
0x55: {  	s0 =	sadd.s32 s3, s0  }
0x56: {  	[hbm4b:s0+s4] =	stream.linear.scatter [tilespmem:s20], [sflag:$0x2], $0xA000, $0x38;
	[tilespmem:$0x18C00] =	vst v63  }
.LBB2_4:
0x57: {  	p0 =	seq.s32 s28, $0x0  }
0x58: {  	s0 =	simm.s32 @!p0 $0x2  }
0x59: {  	s29 =	smul.u32 $0x500, s28;
	_ =	swait.ge @!p0 [sflag:s0], $0xA000  }
0x5a: {  	[sflag:s0] =	ssyncset.done @!p0 $0x0  }
0x5b: {  	s1 =	sadd.s32 $0x1900, s29;
	[sflag:s0] =	ssyncadd.s32 @!p0 $0xFFFF6000  }
0x5c: {  	[tilespmem:s14], [sflag:$0x1] =	stream.indirect.gather [hbm4b:s7+s13], $0x40, s1, s13, $0xb8;
	[tilespmem:$0x18C00] =	vst v63  }
0x5d: {  	s1 =	sadd.s32 $0x1980, s29  }
0x5e: {  	[tilespmem:s15], [sflag:$0x1] =	stream.indirect.gather [hbm4b:s7+s13], $0x40, s1, s13, $0xb8;
	[tilespmem:$0x18C00] =	vst v63  }
0x5f: {  	s1 =	sadd.s32 $0x1A00, s29  }
0x60: {  	[tilespmem:s16], [sflag:$0x1] =	stream.indirect.gather [hbm4b:s7+s13], $0x40, s1, s13, $0xb8;
	[tilespmem:$0x18C00] =	vst v63  }
0x61: {  	s1 =	sadd.s32 $0x1A80, s29  }
0x62: {  	[tilespmem:s17], [sflag:$0x1] =	stream.indirect.gather [hbm4b:s7+s13], $0x40, s1, s13, $0xb8;
	[tilespmem:$0x18C00] =	vst v63  }
0x63: {  	s1 =	sadd.s32 $0x1B00, s29  }
0x64: {  	[tilespmem:s18], [sflag:$0x1] =	stream.indirect.gather [hbm4b:s7+s13], $0x40, s1, s13, $0xb8;
	[tilespmem:$0x18C00] =	vst v63  }
0x65: {  	_ =	swait.ge [sflag:s19], $0x2000  }
0x66: {  	[sflag:s19] =	ssyncset.done $0x0  }
0x67: {  	[sflag:s19] =	ssyncadd.s32 $0xFFFFE000  }
0x68: {  	_ =	swait.ge [sflag:s19], $0x2000  }
0x69: {  	[sflag:s19] =	ssyncset.done $0x0  }
0x6a: {  	[sflag:s19] =	ssyncadd.s32 $0xFFFFE000  }
0x6b: {  	_ =	swait.ge [sflag:s19], $0x2000  }
0x6c: {  	[sflag:s19] =	ssyncset.done $0x0  }
0x6d: {  	[sflag:s19] =	ssyncadd.s32 $0xFFFFE000  }
0x6e: {  	_ =	swait.ge [sflag:s19], $0x2000  }
.Ltmp5:
0x6f: {  	[sflag:s19] =	ssyncset.done $0x0;
	(pc) =	sbr.rel .LBB2_5-.Ltmp5, $4  }
0x70: {  	[sflag:s19] =	ssyncadd.s32 $0xFFFFE000  }
0x71: {  	_ =	swait.ge [sflag:s19], $0x2000  }
0x72: {  	s30 =	sshll.u32 s28, $0x1;
	[sflag:s19] =	ssyncset.done $0x0  }
0x73: {  	s31 =	smul.u32 $0x50, s28;
	s1 =	simm.s32 $0x0;
	[sflag:s19] =	ssyncadd.s32 $0xFFFFE000  }
.LBB2_8:
0x74: {  	_ =	sdelay $0x3  }
0x75: {  	v8 =	vand.u32 $0x3F, v8  }
0x76: {  	[tilespmem:v7+s14+$0x0] =	vst.idx.msk vm0, v5;
	v63 =	vbroadcast v8, $0x0  }
0x77: {  	v4 =	vor.u32 v3, v4;
	v6 =	vld.idx.msk [tilespmem:v6+s10+$0x0], vm0  }
0x78: {  	v2 =	vor.u32 v2, v63;
	_ =	sdelay $0x3  }
0x79: {  	[tilespmem:v4+s14+$0x0] =	vst.idx.msk vm0, v6  }
0x7a: {  	v3 =	vor.u32 v3, v63;
	v2 =	vld.idx.msk [tilespmem:v2+s10+$0x0], vm0;
	_ =	sdelay $0x4  }
0x7b: {  	[tilespmem:v3+s14+$0x0] =	vst.idx.msk vm0, v2  }
.LBB2_9:
0x7c: {  	s1 =	sadd.s32 $0x1, s1  }
0x7d: {  	p1 =	sne.s32 s1, $0x28  }
.Ltmp6:
0x7e: {  	_ = 	snop;
	(pc) =	sbr.rel @!p1 .LBB2_10-.Ltmp6, $1  }
0x7f: {  	_ =	sdelay $0x3  }
.LBB2_5:
0x80: {  	_ = 	snop  }
0x81: {  	s0 =	sld [smem:s1+s31];
	_ =	sdelay $0x2  }
0x82: {  	p1 =	slt.s32 s0, $0x1  }
.Ltmp7:
0x83: {  	_ = 	snop;
	(pc) =	sbr.rel @p1 .LBB2_9-.Ltmp7, $1  }
0x84: {  	_ =	sdelay $0x3  }
0x85: {  	s0 =	sadd.s32 s31, s1  }
0x86: {  	s0 =	sshll.u32 s0, $0x4  }
0x87: {  	s0 =	sand.u32 $0x3FFFFFF0, s0  }
0x88: {  	v2 =	vld [tilespmem:s0+$0x0];
	_ =	sdelay $0x1  }
0x89: {  	s0 =	simm.s32 $0x0  }
0x8a: {  	v3 =	vmov s0  }
0x8b: {  	v3 =	vand.u32 $0x3F, v3  }
0x8c: {  	v6 =	vbroadcast v3, $0x0;
	vm0 =	vlt.s32 v2, $0x65;
	v2 =	vshll.u32 v2, $0x6  }
0x8d: {  	v2 =	vnsel vm0, $0x0, v2  }
0x8e: {  	s0 =	simm.s32 $0x1;
	v5 =	vor.u32 v2, v6  }
0x8f: {  	v3 =	vmov s0;
	s0 =	sshll.u32 s1, $0x4  }
0x90: {  	v4 =	vmov s0  }
0x91: {  	v3 =	vand.u32 $0x3F, v3;
	v7 =	vshll.u32 v4, $0x6  }
0x92: {  	v4 =	vbroadcast v3, $0x0;
	v3 =	vor.u32 v1, v7  }
0x93: {  	v7 =	vor.u32 v3, v6;
	v5 =	vld.idx.msk [tilespmem:v5+s10+$0x0], vm0  }
0x94: {  	v6 =	vor.u32 v2, v4;
	_ =	sdelay $0x1  }
0x95: {  	s0 =	simm.s32 $0x2  }
0x96: {  	v8 =	vmov s0;
	s0 =	simm.s32 $0x3  }
.LBB2_7:
0x97: {  	p1 =	sne.s32 s0, $0x3F;
	v8 =	vand.u32 $0x3F, v8;
	[tilespmem:v7+s14+$0x0] =	vst.idx.msk vm0, v5  }
0x98: {  	v8 =	vbroadcast v8, $0x0;
	v5 =	vld.idx.msk [tilespmem:v6+s10+$0x0], vm0  }
.Ltmp8:
0x99: {  	v7 =	vor.u32 v3, v4;
	(pc) =	sbr.rel @p1 .LBB2_7-.Ltmp8, $2  }
0x9a: {  	v6 =	vor.u32 v2, v8;
	v4 =	vmov v8;
	_ =	sdelay $0x2  }
0x9b: {  	v8 =	vmov s0;
	s0 =	sadd.s32 $0x1, s0  }
.Ltmp9:
0x9c: {  	_ = 	snop;
	(pc) =	sbr.rel .LBB2_8-.Ltmp9, $1  }
0x9d: {  	_ =	sdelay $0x3  }
.LBB2_10:
0x9e: {  	s0 =	sadd.s32 s5, s29  }
0x9f: {  	s0 =	sshll.u32 s0, $0x3  }
0xa0: {  	s0 =	sadd.s32 s3, s0  }
0xa1: {  	[hbm4b:s0+s4] =	stream.linear.scatter [tilespmem:s14], [sflag:$0x2], $0xA000, $0x38;
	[tilespmem:$0x18C00] =	vst v63  }
0xa2: {  	s1 =	simm.s32 @!p0 $0x2;
	s0 =	sor.u32 $0x1, s30  }
0xa3: {  	s29 =	smul.u32 $0x280, s0;
	_ =	swait.ge @!p0 [sflag:s1], $0xA000  }
0xa4: {  	[sflag:s1] =	ssyncset.done @!p0 $0x0  }
0xa5: {  	[sflag:s1] =	ssyncadd.s32 @!p0 $0xFFFF6000;
	s31 =	sadd.s32 $0x1900, s29  }
0xa6: {  	[tilespmem:s20], [sflag:$0x1] =	stream.indirect.gather [hbm4b:s7+s13], $0x40, s31, s13, $0xb8;
	[tilespmem:$0x18C00] =	vst v63  }
0xa7: {  	s31 =	sadd.s32 $0x1980, s29  }
0xa8: {  	[tilespmem:s21], [sflag:$0x1] =	stream.indirect.gather [hbm4b:s7+s13], $0x40, s31, s13, $0xb8;
	[tilespmem:$0x18C00] =	vst v63  }
0xa9: {  	s31 =	sadd.s32 $0x1A00, s29  }
0xaa: {  	[tilespmem:s22], [sflag:$0x1] =	stream.indirect.gather [hbm4b:s7+s13], $0x40, s31, s13, $0xb8;
	[tilespmem:$0x18C00] =	vst v63  }
0xab: {  	s31 =	sadd.s32 $0x1A80, s29  }
0xac: {  	[tilespmem:s23], [sflag:$0x1] =	stream.indirect.gather [hbm4b:s7+s13], $0x40, s31, s13, $0xb8;
	[tilespmem:$0x18C00] =	vst v63  }
0xad: {  	s31 =	sadd.s32 $0x1B00, s29  }
0xae: {  	[tilespmem:s24], [sflag:$0x1] =	stream.indirect.gather [hbm4b:s7+s13], $0x40, s31, s13, $0xb8;
	[tilespmem:$0x18C00] =	vst v63  }
0xaf: {  	_ =	swait.ge [sflag:s19], $0x2000  }
0xb0: {  	[sflag:s19] =	ssyncset.done $0x0  }
0xb1: {  	[sflag:s19] =	ssyncadd.s32 $0xFFFFE000  }
0xb2: {  	_ =	swait.ge [sflag:s19], $0x2000  }
0xb3: {  	[sflag:s19] =	ssyncset.done $0x0  }
0xb4: {  	[sflag:s19] =	ssyncadd.s32 $0xFFFFE000  }
0xb5: {  	_ =	swait.ge [sflag:s19], $0x2000  }
0xb6: {  	[sflag:s19] =	ssyncset.done $0x0  }
0xb7: {  	[sflag:s19] =	ssyncadd.s32 $0xFFFFE000  }
0xb8: {  	_ =	swait.ge [sflag:s19], $0x2000  }
.Ltmp10:
0xb9: {  	[sflag:s19] =	ssyncset.done $0x0;
	(pc) =	sbr.rel .LBB2_11-.Ltmp10, $4  }
0xba: {  	[sflag:s19] =	ssyncadd.s32 $0xFFFFE000  }
0xbb: {  	_ =	swait.ge [sflag:s19], $0x2000  }
0xbc: {  	[sflag:s19] =	ssyncset.done $0x0  }
0xbd: {  	s30 =	smul.u32 $0x28, s0;
	s1 =	simm.s32 $0x0;
	[sflag:s19] =	ssyncadd.s32 $0xFFFFE000  }
.LBB2_14:
0xbe: {  	_ =	sdelay $0x3  }
0xbf: {  	v8 =	vand.u32 $0x3F, v8  }
0xc0: {  	[tilespmem:v7+s20+$0x0] =	vst.idx.msk vm0, v5;
	v63 =	vbroadcast v8, $0x0  }
0xc1: {  	v4 =	vor.u32 v3, v4;
	v6 =	vld.idx.msk [tilespmem:v6+s10+$0x0], vm0  }
0xc2: {  	v2 =	vor.u32 v2, v63;
	_ =	sdelay $0x3  }
0xc3: {  	[tilespmem:v4+s20+$0x0] =	vst.idx.msk vm0, v6  }
0xc4: {  	v3 =	vor.u32 v3, v63;
	v2 =	vld.idx.msk [tilespmem:v2+s10+$0x0], vm0;
	_ =	sdelay $0x4  }
0xc5: {  	[tilespmem:v3+s20+$0x0] =	vst.idx.msk vm0, v2  }
.LBB2_15:
0xc6: {  	s1 =	sadd.s32 $0x1, s1  }
0xc7: {  	p0 =	sne.s32 s1, $0x28  }
.Ltmp11:
0xc8: {  	_ = 	snop;
	(pc) =	sbr.rel @!p0 .LBB2_16-.Ltmp11, $1  }
0xc9: {  	_ =	sdelay $0x3  }
.LBB2_11:
0xca: {  	_ = 	snop  }
0xcb: {  	s0 =	sld [smem:s1+s30];
	_ =	sdelay $0x2  }
0xcc: {  	p0 =	slt.s32 s0, $0x1  }
.Ltmp12:
0xcd: {  	_ = 	snop;
	(pc) =	sbr.rel @p0 .LBB2_15-.Ltmp12, $1  }
0xce: {  	_ =	sdelay $0x3  }
0xcf: {  	s0 =	sadd.s32 s30, s1  }
0xd0: {  	s0 =	sshll.u32 s0, $0x4  }
0xd1: {  	s0 =	sand.u32 $0x3FFFFFF0, s0  }
0xd2: {  	v2 =	vld [tilespmem:s0+$0x0];
	_ =	sdelay $0x1  }
0xd3: {  	s31 =	simm.s32 $0x0  }
0xd4: {  	v3 =	vmov s31  }
0xd5: {  	v3 =	vand.u32 $0x3F, v3  }
0xd6: {  	v6 =	vbroadcast v3, $0x0;
	vm0 =	vlt.s32 v2, $0x65;
	v2 =	vshll.u32 v2, $0x6  }
0xd7: {  	v2 =	vnsel vm0, $0x0, v2  }
0xd8: {  	s31 =	simm.s32 $0x1;
	v5 =	vor.u32 v2, v6  }
0xd9: {  	v3 =	vmov s31;
	s31 =	sshll.u32 s1, $0x4  }
0xda: {  	v4 =	vmov s31  }
0xdb: {  	v3 =	vand.u32 $0x3F, v3;
	v7 =	vshll.u32 v4, $0x6  }
0xdc: {  	v4 =	vbroadcast v3, $0x0;
	v3 =	vor.u32 v1, v7  }
0xdd: {  	v7 =	vor.u32 v3, v6;
	v5 =	vld.idx.msk [tilespmem:v5+s10+$0x0], vm0  }
0xde: {  	v6 =	vor.u32 v2, v4;
	_ =	sdelay $0x1  }
0xdf: {  	s31 =	simm.s32 $0x2  }
0xe0: {  	s0 =	simm.s32 $0x3;
	v8 =	vmov s31  }
.LBB2_13:
0xe1: {  	p0 =	sne.s32 s0, $0x3F;
	v8 =	vand.u32 $0x3F, v8;
	[tilespmem:v7+s20+$0x0] =	vst.idx.msk vm0, v5  }
0xe2: {  	v8 =	vbroadcast v8, $0x0;
	v5 =	vld.idx.msk [tilespmem:v6+s10+$0x0], vm0  }
.Ltmp13:
0xe3: {  	v7 =	vor.u32 v3, v4;
	(pc) =	sbr.rel @p0 .LBB2_13-.Ltmp13, $2  }
0xe4: {  	v6 =	vor.u32 v2, v8;
	v4 =	vmov v8;
	_ =	sdelay $0x2  }
0xe5: {  	v8 =	vmov s0;
	s0 =	sadd.s32 $0x1, s0  }
.Ltmp14:
0xe6: {  	_ = 	snop;
	(pc) =	sbr.rel .LBB2_14-.Ltmp14, $1  }
0xe7: {  	_ =	sdelay $0x3  }
.LBB2_18:
0xe8: {  	_ =	sfence.sel $0x180000  }
0xe9: {  	[bflag:$0x0] =	sbarrier.arrive $0xFFFF  }
0xea: {  	_ =	strace $0x90000047  }
0xeb: {  	s0 =	stileid.u32;
	[bflag:$0x2] =	sbarrier.arrive $0xFFFF  }
0xec: {  	p0 =	sne.s32 s0, $0x0;
	s0 =	rddreg [dreg:$0x3]  }
0xed: {  	s0 =	sadd.s32 @!p0 $0x100000, s0  }
0xee: {  	[sflag:s0] =	ssyncadd.tile.s32 @!p0 $0x1;
	_ =	shalt  }
.Lfunc_end2:
_tile_overlayer_lowered:
.L_overlay_start_2:
0xef: {  	(tag) =	ssettag $0x2  }
0xf0: {  	s0 =	rddreg [dreg:$0x0];
	s2 =	stileid.u32  }
0xf1: {  	s1 =	rddreg [dreg:$0x1];
	p0 =	sne.s32 s2, $0x0  }
0xf2: {  	s3 =	rddreg [dreg:$0x2];
	[bflag:$0x3] =	sbarrier.arrive $0xFFFF;
	s2 =	simm.s32 @!p0 $0x1C03  }
0xf3: {  	[timem:s3], [sflag:s2] =	dma.local @!p0 [hbm:s0], s1  }
0xf4: {  	s0 =	simm.s32 @!p0 $0x3  }
0xf5: {  	_ =	swait.ge @!p0 [sflag:s0], s1  }
0xf6: {  	s1 =	ssub.s32 @!p0 $0x0, s1;
	[sflag:s0] =	ssyncset.done @!p0 $0x0  }
0xf7: {  	[sflag:s0] =	ssyncadd.s32 @!p0 s1  }
0xf8: {  	[bflag:$0x3] =	sbarrier.arrive $0xFFFF  }
0xf9: {  	_ =	shalt  }

// kernel: sparse-core-data-format-call.cloned.1.call-start
scs
called_computation_lowered:
.L_overlay_start_0:
0x0: {  	s2 =	sld [smem:$0x3FD9]  }
0x1: {  	s3 =	sld [smem:$0x3FFE];
	_ =	sdelay $0x1  }
0x2: {  	s1 =	srdreg.scid  }
0x3: {  	s0 =	sand.u32 $0x1, s1  }
0x4: {  	s18 =	sshll.u32 s0, $0xA;
	s2 =	sadd.s32 s3, s2  }
0x5: {  	s2 =	sadd.s32 s2, s18  }
0x6: {  	[smem:$0x3FC4] =	sst s2  }
0x7: {  	_ = 	snop  }
0x8: {  	s2 =	sld [smem:$0x3FD0];
	(tm) =	ssettm $0x1  }
0x9: {  	s19 =	sld [smem:$0x3FFB];
	_ =	sdelay $0x3  }
0xa: {  	_ =	strace s19  }
0xb: {  	s3 =	sld [smem:$0x3FFC];
	_ =	sdelay $0x3  }
0xc: {  	_ =	strace s3  }
0xd: {  	s3 =	sld [smem:$0x3FFD];
	_ =	sdelay $0x3  }
0xe: {  	_ =	strace s3  }
0xf: {  	_ =	strace $0x8FFFFFFF  }
0x10: {  	s20 =	sld [smem:$0x3FDB];
	_ =	sdelay $0x1  }
0x11: {  	s4 =	simm.s32 $_scs_section_size  }
0x12: {  	s5 =	simm.s32 $_size__tile_overlayer_lowered;
	s6 =	simm.s32 $_tile_overlayer_lowered  }
0x13: {  	s23 =	simm.s32 $0x1BFF;
	s22 =	sshll.u32 s6, $0x1;
	s3 =	sadd.s32 s4, s20  }
0x14: {  	s7 =	simm.s32 $0x0;
	s21 =	sshll.u32 s5, $0x1;
	s5 =	sadd.s32 s22, s3  }
0x15: {  	[timem:s7], [sflag:s23] =	dma.local [hbm:s5], s21  }
0x16: {  	_ =	swait.ge [sflag:s23], s21  }
0x17: {  	s4 =	ssub.s32 $0x0, s21;
	[sflag:s23] =	ssyncset.done $0x0  }
0x18: {  	[sflag:s23] =	ssyncadd.s32 s4;
	_ =	sdelay $0x1  }
0x19: {  	s24 =	simm.s32 $0x1B8B  }
0x1a: {  	_ =	swait.ge [sflag:s24], $0x1  }
0x1b: {  	[sflag:s24] =	ssyncset.done $0x0  }
0x1c: {  	s26 =	simm.s32 $0x1B8E;
	s25 =	sld [smem:$0x3FFE];
	[sflag:s24] =	ssyncadd.s32 $0xFFFFFFFF  }
0x1d: {  	s27 =	simm.s32 $execute0_lowered;
	[smem:$0x3FD2] =	sst s26  }
0x1e: {  	s5 =	sshll.u32 s27, $0x1;
	_ =	strace $0x80000049;
	[dreg:$0x1] =	wrdreg $0xFFFFFFFF  }
0x1f: {  	s28 =	simm.s32 $_size_execute0_lowered;
	s3 =	sadd.s32 s3, s5;
	[dreg:$0x0] =	wrdreg $0x0  }
0x20: {  	s5 =	sshll.u32 s28, $0x1;
	[dreg:$0x2] =	wrdreg s3  }
0x21: {  	[dreg:$0x3] =	wrdreg s5  }
0x22: {  	[dreg:$0x4] =	wrdreg $0xC0  }
0x23: {  	_ =	task [dreg:s7], $0x5FFFF  }
0x24: {  	[dreg:$0x1] =	wrdreg $0xFFFFFFFF  }
0x25: {  	[dreg:$0x0] =	wrdreg $0x60  }
0x26: {  	[dreg:$0x2] =	wrdreg s25  }
0x27: {  	[dreg:$0x3] =	wrdreg s2  }
0x28: {  	[dreg:$0x4] =	wrdreg $0x9  }
0x29: {  	_ =	task.clear_ibuf [dreg:s7], $0x5FFFF;
	_ =	strace $0x90000049  }
0x2a: {  	s29 =	simm.s32 $0x9;
	_ =	strace $0x8000004B  }
0x2b: {  	_ =	swait.ge [sflag:s29], $0x1  }
0x2c: {  	[sflag:s29] =	ssyncadd.s32 $0xFFFFFFFF  }
0x2d: {  	_ =	strace $0x9000004B  }
0x2e: {  	_ =	sfence  }
0x2f: {  	s30 =	sld [smem:$0x0];
	_ =	sdelay $0x2  }
0x30: {  	s31 =	sshll.u32 s1, $0xD;
	s1 =	sshrl.u32 s1, $0x2  }
0x31: {  	s3 =	sand.u32 $0x4000, s31;
	s1 =	sadd.s32 s1, s30  }
0x32: {  	s0 =	sor.u32 s3, s0;
	s1 =	sshll.u32 s1, $0x11  }
0x33: {  	s0 =	sor.u32 s1, s0  }
0x34: {  	s0 =	sadd.s32 $0x8F2B, s0  }
0x35: {  	[sflag:s0] =	ssyncadd.remote.s32 $0x1  }
0x36: {  	_ =	sfence.sel $0xFFFF  }
0x37: {  	[dreg:$0x0] =	wrdreg $0xFFFFFFFF;
	(pc) =	sbr.abs _section_cstart, $3  }
0x38: {  	[dreg:$0x1] =	wrdreg $0xFFFFFFFF  }
0x39: {  	_ =	task.clear_ibuf [dreg:s7], $0x2FFFF;
	_ =	strace $0x9FFFFFFF  }
0x3a: {  	(tm) =	ssettm $0x7FFFFFFF  }
0x3b: {  	_ =	shalt  }
tec
execute0_lowered:
.L_overlay_start_1:
0x0: {  	(tag) =	ssettag $0x1  }
0x1: {  	s0 =	srdreg.scid  }
0x2: {  	s1 =	sshll.u32 s0, $0x4  }
0x3: {  	s0 =	stileid.u32;
	s1 =	sand.u32 $0x10, s1  }
0x4: {  	s1 =	sor.u32 s0, s1  }
0x5: {  	s6 =	rddreg [dreg:$0x0];
	s4 =	simm.s32 $0x1;
	s2 =	sshll.u32 s1, $0x7  }
0x6: {  	s7 =	simm.s32 $0x2;
	s12 =	simm.s32 $0x0;
	s1 =	ssub.s32 $0x1000, s2  }
0x7: {  	s8 =	simm.s32 $0x8000;
	s13 =	simm.s32 $0x0;
	s3 =	sand.u32 $0xF80, s1  }
0x8: {  	s9 =	simm.s32 $0x0;
	s5 =	sshrl.u32 s1, $0xC;
	p0 =	sne.s32 s3, $0x0  }
.Ltmp0:
0x9: {  	s1 =	rddreg [dreg:$0x2];
	s4 =	simm.s32 @!p0 $0x0;
	(pc) =	sbr.rel .LBB1_1-.Ltmp0, $4  }
0xa: {  	s11 =	simm.s32 $0x0;
	s3 =	rddreg [dreg:$0x1];
	s5 =	sadd.s32 s4, s5  }
0xb: {  	_ =	strace $0x8000004A;
	s4 =	simm.s32 $0x1;
	s5 =	smul.u32 $0x32, s5  }
0xc: {  	s6 =	sadd.s32 $0xC00, s6;
	s10 =	smov.u32 s2;
	[sflag:s4] =	ssyncpa.u1 $0x0  }
0xd: {  	p0 =	por $0x0, $0x0;
	[sflag:s7] =	ssyncpa.u1 $0x0;
	s7 =	sor.u32 $0x1, s5  }
.LBB1_4:
0xe: {  	s16 =	sshll.u32 s13, $0x3;
	s17 =	sand.u32 $0x78, s13  }
0xf: {  	s30 =	sand.u32 $0x7E00, s13;
	s12 =	sshll.u32 s12, $0xF;
	s16 =	sand.u32 $0xC00, s16  }
0x10: {  	[tilespmem:s15+$0x810 ss:$0x81] =	vst.msk $0xffff, v2;
	s31 =	sand.u32 $0x7, s13;
	s16 =	sor.u32 s17, s16;
	s17 =	sadd.s32 s3, s30  }
0x11: {  	[tilespmem:s15+$0x1020 ss:$0x81] =	vst.msk $0xffff, v0;
	s13 =	sshll.u32 s31, $0x12;
	s12 =	sadd.s32 s12, s17;
	s16 =	sshrl.u32 s16, $0x3  }
0x12: {  	[tilespmem:s15+$0x0 ss:$0x81] =	vst.msk $0xffff, v1;
	s13 =	sor.u32 $0x400, s13;
	s12 =	sadd.s32 s16, s12  }
0x13: {  	[hbm4b:s12+s13] =	stream.strided.scatter [tilespmem:s14], [sflag:$0x2], $0x2000, s8, s13, $0x20;
	[tilespmem:$0x8080] =	vst v63  }
.LBB1_5:
0x14: {  	s14 =	sadd.s32 $0x1, s9  }
0x15: {  	s12 =	sadd.s32 $0x1000, s10;
	s16 =	smov.u32 s10;
	p2 =	sgt.s32 s14, $0x31  }
0x16: {  	s16 =	smov.u32 @p2 s12  }
0x17: {  	s14 =	simm.s32 @p2 $0x0;
	p2 =	sgt.s32 s16, $0xFFF  }
0x18: {  	s16 =	smov.u32 @p2 s2;
	p2 =	sne.s32 s11, s7  }
.Ltmp1:
0x19: {  	p1 =	slt.u32 s11, $0x2;
	(pc) =	sbr.rel @!p2 .LBB1_6-.Ltmp1, $4  }
0x1a: {  	s15 =	simm.s32 @!p1 $0x2  }
0x1b: {  	s13 =	smov.u32 s10;
	p0 =	por !p0, !p0;
	_ =	swait.ge @!p1 [sflag:s15], $0x2000  }
0x1c: {  	s12 =	smov.u32 s9;
	[sflag:s15] =	ssyncset.done @!p1 $0x0;
	s9 =	smov.u32 s14  }
0x1d: {  	s11 =	sadd.s32 $0x1, s11;
	[sflag:s15] =	ssyncadd.s32 @!p1 $0xFFFFE000;
	s10 =	smov.u32 s16  }
.LBB1_1:
0x1e: {  	p1 =	sge.u32 s11, s5  }
0x1f: {  	s14 =	sand.u32 @!p1 $0x1FFFFFF, s9  }
0x20: {  	s15 =	smulhi.u32 @!p1 $0x4924925, s14;
	_ =	sdelay $0x1  }
0x21: {  	s15 =	smul.u32 @!p1 $0x38, s15  }
0x22: {  	s16 =	sxor.u32 @!p1 $0xFFFFFFFF, s11;
	s17 =	smul.u32 @!p1 $0x380, s10  }
0x23: {  	s31 =	sadd.s32 $0xFFFFFFFF, s11;
	s16 =	sshll.u32 @!p1 s16, $0xD;
	s14 =	ssub.s32 @!p1 s14, s15  }
0x24: {  	s15 =	sand.u32 @!p1 $0x2000, s16;
	s16 =	sadd.s32 @!p1 s6, s17;
	s14 =	sshll.u32 @!p1 s14, $0x4  }
0x25: {  	s17 =	simm.s32 @!p1 $0x1C00;
	s14 =	sadd.s32 @!p1 s14, s16;
	s16 =	simm.s32 @!p1 $0x40  }
0x26: {  	[tilespmem:s15], [sflag:$0x1] =	stream.strided.gather @!p1 [hbm4b:s14+s16], $0x2000, s17, s16, $0x38;
	[tilespmem:$0x8080] =	vst v63  }
0x27: {  	p1 =	sge.u32 s31, s5  }
.Ltmp2:
0x28: {  	_ = 	snop;
	(pc) =	sbr.rel @p1 .LBB1_5-.Ltmp2, $1  }
0x29: {  	_ =	sdelay $0x3  }
0x2a: {  	s14 =	simm.s32 $0x1  }
0x2b: {  	_ =	swait.ge [sflag:s4], $0x2000;
	s14 =	simm.s32 @!p0 $0x0  }
0x2c: {  	[sflag:s4] =	ssyncset.done $0x0;
	s15 =	sshll.u32 s14, $0xD  }
0x2d: {  	[sflag:s4] =	ssyncadd.s32 $0xFFFFE000;
	s18 =	sor.u32 $0x20, s15  }
0x2e: {  	s14 =	smul.u32 $0x8100, s14;
	v3 =	vld [tilespmem:s18+$0x10]  }
0x2f: {  	s30 =	sand.u32 $0x1, s11;
	v2 =	vld [tilespmem:s18+$0xFFFFFFF0]  }
0x30: {  	s15 =	smul.u32 $0x8100, s30;
	s14 =	sshrl.u32 s14, $0x2;
	v0 =	vld [tilespmem:s18+$0x0]  }
0x31: {  	v1 =	vld [tilespmem:s18+$0xFFFFFFE0];
	s16 =	sor.u32 $0x4000, s14  }
0x32: {  	s31 =	sshrl.u32 s15, $0x2;
	s15 =	sadd.s32 $0x0, s16  }
0x33: {  	s17 =	simm.s32 $0x4;
	s18 =	sadd.s32 $0x40, s18;
	s14 =	sor.u32 $0x4000, s31;
	[tilespmem:s15+$0x1830 ss:$0x81] =	vst.msk $0xffff, v3  }
.LBB1_3:
0x34: {  	v3 =	vld [tilespmem:s18+$0x10];
	p1 =	sne.s32 s17, $0x1FC;
	[tilespmem:s15+$0x810 ss:$0x81] =	vst.msk $0xffff, v2;
	s19 =	smov.u32 s17;
	s17 =	sadd.s32 $0x4, s17  }
.Ltmp3:
0x35: {  	v2 =	vld [tilespmem:s18+$0xFFFFFFF0];
	[tilespmem:s15+$0x1020 ss:$0x81] =	vst.msk $0xffff, v0;
	(pc) =	sbr.rel @p1 .LBB1_3-.Ltmp3, $4  }
0x36: {  	v0 =	vld [tilespmem:s18+$0x0];
	[tilespmem:s15+$0x0 ss:$0x81] =	vst.msk $0xffff, v1  }
0x37: {  	s15 =	sshra.s32 s19, $0x2;
	v1 =	vld [tilespmem:s18+$0xFFFFFFE0]  }
0x38: {  	s15 =	sadd.s32 s15, s16  }
0x39: {  	s18 =	sadd.s32 $0x40, s18;
	[tilespmem:s15+$0x1830 ss:$0x81] =	vst.msk $0xffff, v3  }
.Ltmp4:
0x3a: {  	_ = 	snop;
	(pc) =	sbr.rel .LBB1_4-.Ltmp4, $1  }
0x3b: {  	_ =	sdelay $0x3  }
.LBB1_6:
0x3c: {  	_ =	sfence.sel $0x180000  }
0x3d: {  	s2 =	simm.s32 $0x1;
	[bflag:$0x0] =	sbarrier.arrive $0xFFFF  }
0x3e: {  	s31 =	simm.s32 $0x2;
	[sflag:s2] =	ssyncpa.u1 $0x1  }
0x3f: {  	[sflag:s31] =	ssyncpa.u1 $0x1  }
0x40: {  	p0 =	sne.s32 s0, $0x0;
	_ =	strace $0x9000004A  }
0x41: {  	s0 =	sadd.s32 @!p0 $0x100000, s1;
	[bflag:$0x2] =	sbarrier.arrive $0xFFFF  }
0x42: {  	[sflag:s0] =	ssyncadd.tile.s32 @!p0 $0x1;
	_ =	shalt  }
.Lfunc_end1:
_tile_overlayer_lowered:
.L_overlay_start_2:
0x43: {  	(tag) =	ssettag $0x2  }
0x44: {  	s0 =	rddreg [dreg:$0x0];
	s2 =	stileid.u32  }
0x45: {  	s1 =	rddreg [dreg:$0x1];
	p0 =	sne.s32 s2, $0x0  }
0x46: {  	s3 =	rddreg [dreg:$0x2];
	[bflag:$0x3] =	sbarrier.arrive $0xFFFF;
	s2 =	simm.s32 @!p0 $0x1C01  }
0x47: {  	[timem:s3], [sflag:s2] =	dma.local @!p0 [hbm:s0], s1  }
0x48: {  	s0 =	simm.s32 @!p0 $0x1  }
0x49: {  	_ =	swait.ge @!p0 [sflag:s0], s1  }
0x4a: {  	s1 =	ssub.s32 @!p0 $0x0, s1;
	[sflag:s0] =	ssyncset.done @!p0 $0x0  }
0x4b: {  	[sflag:s0] =	ssyncadd.s32 @!p0 s1  }
0x4c: {  	[bflag:$0x3] =	sbarrier.arrive $0xFFFF  }
0x4d: {  	_ =	shalt  }

</sc_bundles>
